<compile_context>
chip_gen: v7x
topology: tpu7x:2x2x1
jax: 0.10.2.dev20260603
libtpu: 0.0.44.dev20260713+nightly
codegen_flags: <defaults>
</compile_context>

<pallas_src>
import functools

import jax
import jax.numpy as jnp
from jax import lax
from jax.experimental import pallas as pl
from jax.experimental.pallas import tpu as pltpu
from jax.experimental.pallas import tpu_sc as plsc

N_ROWS = 4096
N_SUP = 256
N_QUERY = N_ROWS - N_SUP
D = 64
L = 16
DV = D // L
NC = 2
NS = 16
NW = NC * NS
QPW = N_QUERY // NW
SUPW = N_SUP // NS
SLOT = 128


@functools.partial(
    pl.kernel,
    mesh=plsc.VectorSubcoreMesh(core_axis_name="c", subcore_axis_name="s",
                                num_cores=NC),
    out_type=jax.ShapeDtypeStruct((NW, 2, L), jnp.float32),
    scratch_types=[
        pltpu.VMEM((SUPW, D), jnp.float32),
        pltpu.VMEM((SLOT,), jnp.float32),
        pltpu.VMEM_SHARED((NS * SLOT,), jnp.float32),
        pltpu.VMEM((NS * SLOT,), jnp.float32),
        pltpu.VMEM((QPW, D), jnp.float32),
        pltpu.VMEM((QPW,), jnp.int32),
        pltpu.VMEM((3 * L,), jnp.float32),
        pltpu.VMEM((3 * L,), jnp.float32),
        pltpu.VMEM((2, L), jnp.float32),
        pltpu.SemaphoreType.DMA,
        pltpu.SemaphoreType.DMA,
        pltpu.SemaphoreType.DMA,
    ],
)
def _proto_loss_sc(inp_hbm, tgt_hbm, out_hbm, sup_v, my_v, sh, all_v, q_v,
                   t_v, pad_d, pad_c, out_v, sem_s, sem_q, sem_t):
    c = lax.axis_index("c")
    s = lax.axis_index("s")
    w = s * NC + c
    qbase = N_SUP + w * QPW

    cp_s = pltpu.async_copy(inp_hbm.at[pl.ds(s * SUPW, SUPW)], sup_v, sem_s)
    cp_q = pltpu.async_copy(inp_hbm.at[pl.ds(qbase, QPW)], q_v, sem_q)
    cp_t = pltpu.async_copy(tgt_hbm.at[pl.ds(qbase, QPW)], t_v, sem_t)

    cp_s.wait()
    zeros16 = jnp.zeros((L,), jnp.float32)
    for j in range(DV):
        acc = sup_v[0, pl.ds(j * L, L)]
        for r in range(1, SUPW):
            acc = acc + sup_v[r, pl.ds(j * L, L)]
        my_v[pl.ds(j * L, L)] = acc
    for j in range(DV, SLOT // L):
        my_v[pl.ds(j * L, L)] = zeros16
    pltpu.sync_copy(my_v, sh.at[pl.ds(s * SLOT, SLOT)])
    plsc.subcore_barrier()
    pltpu.sync_copy(sh, all_v)
    proto = []
    for j in range(DV):
        acc = all_v[pl.ds(j * L, L)]
        for r in range(1, NS):
            acc = acc + all_v[pl.ds(r * SLOT + j * L, L)]
        proto.append(acc * (1.0 / N_SUP))

    cp_q.wait()
    QU = 12

    def qbody(r, carry):
        base = r * QU
        a0, a1 = carry
        for i in range(QU):
            sq = jnp.zeros((L,), jnp.float32)
            for j in range(DV):
                dvj = q_v[base + i, pl.ds(j * L, L)] - proto[j]
                sq = sq + dvj * dvj
            if i % 2 == 0:
                a0 = a0 + sq
            else:
                a1 = a1 + sq
        return (a0, a1)

    qa0, qa1 = lax.fori_loop(0, QPW // QU, qbody, (zeros16, zeros16))
    d2v = qa0 + qa1

    cp_t.wait()
    cv = jnp.zeros((L,), jnp.float32)
    full_chunks = QPW // L
    for k in range(full_chunks):
        tc = t_v[pl.ds(k * L, L)]
        cv = cv + jnp.where(tc == 0, 1.0, 0.0).astype(jnp.float32)
    rem = QPW - full_chunks * L
    if rem:
        tc = t_v[pl.ds(QPW - L, L)]
        lane = lax.iota(jnp.int32, 16)
        m = (tc == 0) & (lane >= (L - rem))
        cv = cv + jnp.where(m, 1.0, 0.0).astype(jnp.float32)

    pad_d[pl.ds(0, L)] = zeros16
    pad_d[pl.ds(2 * L, L)] = zeros16
    pad_c[pl.ds(0, L)] = zeros16
    pad_c[pl.ds(2 * L, L)] = zeros16
    for shift in (8, 4, 2, 1):
        pad_d[pl.ds(L, L)] = d2v
        pad_c[pl.ds(L, L)] = cv
        d2v = d2v + pad_d[pl.ds(L + shift, L)]
        cv = cv + pad_c[pl.ds(L + shift, L)]
    logit_sumv = -d2v
    lse_sumv = logit_sumv
    lossv = (lse_sumv - logit_sumv) * (1.0 / N_QUERY)
    accv = cv * (1.0 / N_QUERY)
    lane = lax.iota(jnp.int32, 16)
    m0 = lane == 0
    out_v[0, :] = jnp.where(m0, lossv, 0.0).astype(jnp.float32)
    out_v[1, :] = jnp.where(m0, accv, 0.0).astype(jnp.float32)
    pltpu.sync_copy(out_v, out_hbm.at[w])


def kernel(input, target):
    t32 = target.astype(jnp.int32)
    out = _proto_loss_sc(input, t32)
    loss = jnp.sum(out[:, 0, 0])
    acc = jnp.sum(out[:, 1, 0])
    return loss, acc

# --- scband reference (transcript-rebuilt; emitter-appended) ---
"""Pipeline reference for scband-prototypical-loss-43422119362706 (READ-ONLY COPY).

The authoritative reference and input builder live on the scoring server;
editing this copy changes nothing except your own understanding.
"""

import jax, jax.numpy as jnp
import numpy as np

N_SUPPORT = 256
CLASS_TO_SECTOR = ["S0", "S0"]  # indexed by class_id + 1 (list stands in for the dict)


def setup_inputs(seed: int = 0) -> dict:
    key = jax.random.key(seed)
    k1, k2 = jax.random.split(key)
    inp = jax.random.normal(k1, (4096, 64), dtype=jnp.float32)
    target = jnp.zeros((4096,), dtype=jnp.int64)
    return {"input": inp, "target": target}


def reference(input, target):
    t = target
    n_total = t.shape[0]
    class_values = [0]
    n_query = n_total - N_SUPPORT
    # support indices per class (first n_support occurrences)
    support_idxs = [jnp.arange(N_SUPPORT) for _ in class_values]
    prototypes = jnp.stack([input[idx].mean(0) for idx in support_idxs])
    class_to_idx = {c: i for i, c in enumerate(class_values)}
    # sector grouping
    sector_to_classlist = {}
    for c in class_values:
        sec = CLASS_TO_SECTOR[c + 1]
        sector_to_classlist.setdefault(sec, []).append(c)
    sector_ids = list(sector_to_classlist.keys())
    sector_protos = jnp.stack([
        jnp.stack([prototypes[class_to_idx[cid]] for cid in sector_to_classlist[s]]).mean(0)
        for s in sector_ids
    ])
    # query indices per class (occurrences after the first n_support)
    query_idxs = jnp.arange(N_SUPPORT, n_total)
    query_samples = input[query_idxs]
    # assign each query to its closest sector prototype (euclidean)
    d_sec = jnp.sqrt(((query_samples[:, None, :] - sector_protos[None, :, :]) ** 2).sum(-1))
    closest_sector = jnp.argmin(d_sec, axis=1)
    # within the chosen sector, predict the closest class prototype
    preds = jnp.zeros((n_query,), dtype=jnp.int64)
    for si, s in enumerate(sector_ids):
        cls_list = sector_to_classlist[s]
        pmat = jnp.stack([prototypes[class_to_idx[cid]] for cid in cls_list])
        dd = jnp.sqrt(((query_samples[:, None, :] - pmat[None, :, :]) ** 2).sum(-1))
        pidx = jnp.argmin(dd, axis=1)
        sector_preds = jnp.asarray(np.array(cls_list, dtype=np.int64))[pidx]
        preds = jnp.where(closest_sector == si, sector_preds, preds)
    true_cls = t[query_idxs]
    # cross-entropy over distances to ALL class prototypes (order = classes order)
    dists = jnp.sqrt(((query_samples[:, None, :] - prototypes[None, :, :]) ** 2).sum(-1))
    logits = -dists
    tgt = true_cls - class_values[0]
    logp = jax.nn.log_softmax(logits, axis=1)
    loss_val = -jnp.take_along_axis(logp, tgt[:, None], axis=1).squeeze(1).mean()
    acc_val = jnp.mean((preds == true_cls).astype(jnp.float32))
    return loss_val, acc_val

if __name__ == "__main__":
    import jax
    _d = setup_inputs()
    print(jax.jit(kernel)(*tuple(_d.values())))

</pallas_src>

<mosaic_0001>
#map = affine_map<(d0, d1) -> (0, 0)>
#map1 = affine_map<(d0, d1) -> (0)>
#map2 = affine_map<(d0, d1) -> (0, 0, 0)>
module attributes {stable_mosaic.version = 14 : i64} {
  func.func @_proto_loss_sc(%arg0: i32, %arg1: i32, %arg2: memref<4096x64xf32, #tpu.memory_space<hbm>>, %arg3: memref<4096xi32, #tpu.memory_space<hbm>>, %arg4: memref<32x2x16xf32, #tpu.memory_space<hbm>>, %arg5: memref<16x64xf32, #tpu.memory_space<vmem>>, %arg6: memref<128xf32, #tpu.memory_space<vmem>>, %arg7: memref<2048xf32, #tpu.memory_space<vmem_shared>>, %arg8: memref<2048xf32, #tpu.memory_space<vmem>>, %arg9: memref<120x64xf32, #tpu.memory_space<vmem>>, %arg10: memref<120xi32, #tpu.memory_space<vmem>>, %arg11: memref<48xf32, #tpu.memory_space<vmem>>, %arg12: memref<48xf32, #tpu.memory_space<vmem>>, %arg13: memref<2x16xf32, #tpu.memory_space<vmem>>, %arg14: memref<!tpu.dma_semaphore, #tpu.memory_space<semaphore_mem>>, %arg15: memref<!tpu.dma_semaphore, #tpu.memory_space<semaphore_mem>>, %arg16: memref<!tpu.dma_semaphore, #tpu.memory_space<semaphore_mem>>) attributes {dimension_semantics = [#tpu.dimension_semantics<core_parallel>, #tpu.dimension_semantics<subcore_parallel>], iteration_bounds = array<i64: 2, 16>, scalar_prefetch = 0 : i64, scratch_operands = 12 : i64, tpu.core_type = #tpu.core_type<sc_vector_subcore>, window_params = [{transform_indices = #map}, {transform_indices = #map1}, {transform_indices = #map2}]} {
    %mul3A = arith.constant 2 : i32
    %mul3A_0 = arith.muli %arg1, %mul3A : i32
    %add3A = arith.addi %mul3A_0, %arg0 : i32
    %mul3A_1 = arith.constant 120 : i32
    %mul3A_2 = arith.muli %add3A, %mul3A_1 : i32
    %add3A_3 = arith.constant 256 : i32
    %add3A_4 = arith.addi %add3A_3, %mul3A_2 : i32
    %mul3A_5 = arith.constant 16 : i32
    %mul3A_6 = arith.muli %arg1, %mul3A_5 : i32
    %dma_start3A = arith.constant 0 : i32
    %dma_start3A_7 = tpu.memref_slice %arg2[%mul3A_6, %dma_start3A] : memref<4096x64xf32, #tpu.memory_space<hbm>> -> memref<16x64xf32, #tpu.memory_space<hbm>>
    %dma_start3A_8 = arith.constant 0 : i32
    %dma_start3A_9 = tpu.memref_slice %arg2[%mul3A_6, %dma_start3A_8] : memref<4096x64xf32, #tpu.memory_space<hbm>> -> memref<16x64xf32, #tpu.memory_space<hbm>>
    tpu.enqueue_dma source(%dma_start3A_9 : memref<16x64xf32, #tpu.memory_space<hbm>>) target(%arg5 : memref<16x64xf32, #tpu.memory_space<vmem>>) target_semaphore(%arg14 : memref<!tpu.dma_semaphore, #tpu.memory_space<semaphore_mem>>)
    %dma_start3A_10 = arith.constant 0 : i32
    %dma_start3A_11 = tpu.memref_slice %arg2[%add3A_4, %dma_start3A_10] : memref<4096x64xf32, #tpu.memory_space<hbm>> -> memref<120x64xf32, #tpu.memory_space<hbm>>
    %dma_start3A_12 = arith.constant 0 : i32
    %dma_start3A_13 = tpu.memref_slice %arg2[%add3A_4, %dma_start3A_12] : memref<4096x64xf32, #tpu.memory_space<hbm>> -> memref<120x64xf32, #tpu.memory_space<hbm>>
    tpu.enqueue_dma source(%dma_start3A_13 : memref<120x64xf32, #tpu.memory_space<hbm>>) target(%arg9 : memref<120x64xf32, #tpu.memory_space<vmem>>) target_semaphore(%arg15 : memref<!tpu.dma_semaphore, #tpu.memory_space<semaphore_mem>>)
    %dma_start3A_14 = tpu.memref_slice %arg3[%add3A_4] : memref<4096xi32, #tpu.memory_space<hbm>> -> memref<120xi32, #tpu.memory_space<hbm>>
    %dma_start3A_15 = tpu.memref_slice %arg3[%add3A_4] : memref<4096xi32, #tpu.memory_space<hbm>> -> memref<120xi32, #tpu.memory_space<hbm>>
    tpu.enqueue_dma source(%dma_start3A_15 : memref<120xi32, #tpu.memory_space<hbm>>) target(%arg10 : memref<120xi32, #tpu.memory_space<vmem>>) target_semaphore(%arg16 : memref<!tpu.dma_semaphore, #tpu.memory_space<semaphore_mem>>)
    %dma_wait3A = arith.constant 0 : i32
    %dma_wait3A_16 = tpu.memref_slice %arg2[%mul3A_6, %dma_wait3A] : memref<4096x64xf32, #tpu.memory_space<hbm>> -> memref<16x64xf32, #tpu.memory_space<hbm>>
    %dma_wait3A_17 = arith.constant 0 : i32
    %dma_wait3A_18 = tpu.memref_slice %arg2[%mul3A_6, %dma_wait3A_17] : memref<4096x64xf32, #tpu.memory_space<hbm>> -> memref<16x64xf32, #tpu.memory_space<hbm>>
    tpu.wait_dma2 semaphore(%arg14 : memref<!tpu.dma_semaphore, #tpu.memory_space<semaphore_mem>>) src(%dma_wait3A_18 : memref<16x64xf32, #tpu.memory_space<hbm>>) dst(%arg5 : memref<16x64xf32, #tpu.memory_space<vmem>>)
    %broadcast_in_dim3A = arith.constant 0.000000e+00 : f32
    %broadcast_in_dim3A_19 = vector.broadcast %broadcast_in_dim3A : f32 to vector<16xf32>
    %get3A = arith.constant 0 : i32
    %get3A_20 = arith.index_cast %get3A : i32 to index
    %get3A_21 = arith.constant 0 : index
    %get3A_22 = tpu.vector_load %arg5[%get3A_20, %get3A_21] {strides = array<i32>} : memref<16x64xf32, #tpu.memory_space<vmem>>, vector<1x16xf32>,
    %get3A_23 = vector.shape_cast %get3A_22 : vector<1x16xf32> to vector<16xf32>
    %get3A_24 = arith.constant 1 : i32
    %get3A_25 = arith.index_cast %get3A_24 : i32 to index
    %get3A_26 = arith.constant 0 : index
    %get3A_27 = tpu.vector_load %arg5[%get3A_25, %get3A_26] {strides = array<i32>} : memref<16x64xf32, #tpu.memory_space<vmem>>, vector<1x16xf32>,
    %get3A_28 = vector.shape_cast %get3A_27 : vector<1x16xf32> to vector<16xf32>
    %add3A_29 = arith.addf %get3A_23, %get3A_28 : vector<16xf32>
    %get3A_30 = arith.constant 2 : i32
    %get3A_31 = arith.index_cast %get3A_30 : i32 to index
    %get3A_32 = arith.constant 0 : index
    %get3A_33 = tpu.vector_load %arg5[%get3A_31, %get3A_32] {strides = array<i32>} : memref<16x64xf32, #tpu.memory_space<vmem>>, vector<1x16xf32>,
    %get3A_34 = vector.shape_cast %get3A_33 : vector<1x16xf32> to vector<16xf32>
    %add3A_35 = arith.addf %add3A_29, %get3A_34 : vector<16xf32>
    %get3A_36 = arith.constant 3 : i32
    %get3A_37 = arith.index_cast %get3A_36 : i32 to index
    %get3A_38 = arith.constant 0 : index
    %get3A_39 = tpu.vector_load %arg5[%get3A_37, %get3A_38] {strides = array<i32>} : memref<16x64xf32, #tpu.memory_space<vmem>>, vector<1x16xf32>,
    %get3A_40 = vector.shape_cast %get3A_39 : vector<1x16xf32> to vector<16xf32>
    %add3A_41 = arith.addf %add3A_35, %get3A_40 : vector<16xf32>
    %get3A_42 = arith.constant 4 : i32
    %get3A_43 = arith.index_cast %get3A_42 : i32 to index
    %get3A_44 = arith.constant 0 : index
    %get3A_45 = tpu.vector_load %arg5[%get3A_43, %get3A_44] {strides = array<i32>} : memref<16x64xf32, #tpu.memory_space<vmem>>, vector<1x16xf32>,
    %get3A_46 = vector.shape_cast %get3A_45 : vector<1x16xf32> to vector<16xf32>
    %add3A_47 = arith.addf %add3A_41, %get3A_46 : vector<16xf32>
    %get3A_48 = arith.constant 5 : i32
    %get3A_49 = arith.index_cast %get3A_48 : i32 to index
    %get3A_50 = arith.constant 0 : index
    %get3A_51 = tpu.vector_load %arg5[%get3A_49, %get3A_50] {strides = array<i32>} : memref<16x64xf32, #tpu.memory_space<vmem>>, vector<1x16xf32>,
    %get3A_52 = vector.shape_cast %get3A_51 : vector<1x16xf32> to vector<16xf32>
    %add3A_53 = arith.addf %add3A_47, %get3A_52 : vector<16xf32>
    %get3A_54 = arith.constant 6 : i32
    %get3A_55 = arith.index_cast %get3A_54 : i32 to index
    %get3A_56 = arith.constant 0 : index
    %get3A_57 = tpu.vector_load %arg5[%get3A_55, %get3A_56] {strides = array<i32>} : memref<16x64xf32, #tpu.memory_space<vmem>>, vector<1x16xf32>,
    %get3A_58 = vector.shape_cast %get3A_57 : vector<1x16xf32> to vector<16xf32>
    %add3A_59 = arith.addf %add3A_53, %get3A_58 : vector<16xf32>
    %get3A_60 = arith.constant 7 : i32
    %get3A_61 = arith.index_cast %get3A_60 : i32 to index
    %get3A_62 = arith.constant 0 : index
    %get3A_63 = tpu.vector_load %arg5[%get3A_61, %get3A_62] {strides = array<i32>} : memref<16x64xf32, #tpu.memory_space<vmem>>, vector<1x16xf32>,
    %get3A_64 = vector.shape_cast %get3A_63 : vector<1x16xf32> to vector<16xf32>
    %add3A_65 = arith.addf %add3A_59, %get3A_64 : vector<16xf32>
    %get3A_66 = arith.constant 8 : i32
    %get3A_67 = arith.index_cast %get3A_66 : i32 to index
    %get3A_68 = arith.constant 0 : index
    %get3A_69 = tpu.vector_load %arg5[%get3A_67, %get3A_68] {strides = array<i32>} : memref<16x64xf32, #tpu.memory_space<vmem>>, vector<1x16xf32>,
    %get3A_70 = vector.shape_cast %get3A_69 : vector<1x16xf32> to vector<16xf32>
    %add3A_71 = arith.addf %add3A_65, %get3A_70 : vector<16xf32>
    %get3A_72 = arith.constant 9 : i32
    %get3A_73 = arith.index_cast %get3A_72 : i32 to index
    %get3A_74 = arith.constant 0 : index
    %get3A_75 = tpu.vector_load %arg5[%get3A_73, %get3A_74] {strides = array<i32>} : memref<16x64xf32, #tpu.memory_space<vmem>>, vector<1x16xf32>,
    %get3A_76 = vector.shape_cast %get3A_75 : vector<1x16xf32> to vector<16xf32>
    %add3A_77 = arith.addf %add3A_71, %get3A_76 : vector<16xf32>
    %get3A_78 = arith.constant 10 : i32
    %get3A_79 = arith.index_cast %get3A_78 : i32 to index
    %get3A_80 = arith.constant 0 : index
    %get3A_81 = tpu.vector_load %arg5[%get3A_79, %get3A_80] {strides = array<i32>} : memref<16x64xf32, #tpu.memory_space<vmem>>, vector<1x16xf32>,
    %get3A_82 = vector.shape_cast %get3A_81 : vector<1x16xf32> to vector<16xf32>
    %add3A_83 = arith.addf %add3A_77, %get3A_82 : vector<16xf32>
    %get3A_84 = arith.constant 11 : i32
    %get3A_85 = arith.index_cast %get3A_84 : i32 to index
    %get3A_86 = arith.constant 0 : index
    %get3A_87 = tpu.vector_load %arg5[%get3A_85, %get3A_86] {strides = array<i32>} : memref<16x64xf32, #tpu.memory_space<vmem>>, vector<1x16xf32>,
    %get3A_88 = vector.shape_cast %get3A_87 : vector<1x16xf32> to vector<16xf32>
    %add3A_89 = arith.addf %add3A_83, %get3A_88 : vector<16xf32>
    %get3A_90 = arith.constant 12 : i32
    %get3A_91 = arith.index_cast %get3A_90 : i32 to index
    %get3A_92 = arith.constant 0 : index
    %get3A_93 = tpu.vector_load %arg5[%get3A_91, %get3A_92] {strides = array<i32>} : memref<16x64xf32, #tpu.memory_space<vmem>>, vector<1x16xf32>,
    %get3A_94 = vector.shape_cast %get3A_93 : vector<1x16xf32> to vector<16xf32>
    %add3A_95 = arith.addf %add3A_89, %get3A_94 : vector<16xf32>
    %get3A_96 = arith.constant 13 : i32
    %get3A_97 = arith.index_cast %get3A_96 : i32 to index
    %get3A_98 = arith.constant 0 : index
    %get3A_99 = tpu.vector_load %arg5[%get3A_97, %get3A_98] {strides = array<i32>} : memref<16x64xf32, #tpu.memory_space<vmem>>, vector<1x16xf32>,
    %get3A_100 = vector.shape_cast %get3A_99 : vector<1x16xf32> to vector<16xf32>
    %add3A_101 = arith.addf %add3A_95, %get3A_100 : vector<16xf32>
    %get3A_102 = arith.constant 14 : i32
    %get3A_103 = arith.index_cast %get3A_102 : i32 to index
    %get3A_104 = arith.constant 0 : index
    %get3A_105 = tpu.vector_load %arg5[%get3A_103, %get3A_104] {strides = array<i32>} : memref<16x64xf32, #tpu.memory_space<vmem>>, vector<1x16xf32>,
    %get3A_106 = vector.shape_cast %get3A_105 : vector<1x16xf32> to vector<16xf32>
    %add3A_107 = arith.addf %add3A_101, %get3A_106 : vector<16xf32>
    %get3A_108 = arith.constant 15 : i32
    %get3A_109 = arith.index_cast %get3A_108 : i32 to index
    %get3A_110 = arith.constant 0 : index
    %get3A_111 = tpu.vector_load %arg5[%get3A_109, %get3A_110] {strides = array<i32>} : memref<16x64xf32, #tpu.memory_space<vmem>>, vector<1x16xf32>,
    %get3A_112 = vector.shape_cast %get3A_111 : vector<1x16xf32> to vector<16xf32>
    %add3A_113 = arith.addf %add3A_107, %get3A_112 : vector<16xf32>
    %swap3A = arith.constant 0 : index
    %swap3A_114 = tpu.vector_load %arg6[%swap3A] {strides = array<i32>} : memref<128xf32, #tpu.memory_space<vmem>>, vector<16xf32>,
    %swap3A_115 = vector.shape_cast %swap3A_114 : vector<16xf32> to vector<16xf32>
    %swap3A_116 = vector.shape_cast %add3A_113 : vector<16xf32> to vector<16xf32>
    tpu.vector_store %arg6[%swap3A], %swap3A_116 {strides = array<i32>} : memref<128xf32, #tpu.memory_space<vmem>>, vector<16xf32>,
    %get3A_117 = arith.constant 0 : i32
    %get3A_118 = arith.index_cast %get3A_117 : i32 to index
    %get3A_119 = arith.constant 16 : index
    %get3A_120 = tpu.vector_load %arg5[%get3A_118, %get3A_119] {strides = array<i32>} : memref<16x64xf32, #tpu.memory_space<vmem>>, vector<1x16xf32>,
    %get3A_121 = vector.shape_cast %get3A_120 : vector<1x16xf32> to vector<16xf32>
    %get3A_122 = arith.constant 1 : i32
    %get3A_123 = arith.index_cast %get3A_122 : i32 to index
    %get3A_124 = arith.constant 16 : index
    %get3A_125 = tpu.vector_load %arg5[%get3A_123, %get3A_124] {strides = array<i32>} : memref<16x64xf32, #tpu.memory_space<vmem>>, vector<1x16xf32>,
    %get3A_126 = vector.shape_cast %get3A_125 : vector<1x16xf32> to vector<16xf32>
    %add3A_127 = arith.addf %get3A_121, %get3A_126 : vector<16xf32>
    %get3A_128 = arith.constant 2 : i32
    %get3A_129 = arith.index_cast %get3A_128 : i32 to index
    %get3A_130 = arith.constant 16 : index
    %get3A_131 = tpu.vector_load %arg5[%get3A_129, %get3A_130] {strides = array<i32>} : memref<16x64xf32, #tpu.memory_space<vmem>>, vector<1x16xf32>,
    %get3A_132 = vector.shape_cast %get3A_131 : vector<1x16xf32> to vector<16xf32>
    %add3A_133 = arith.addf %add3A_127, %get3A_132 : vector<16xf32>
    %get3A_134 = arith.constant 3 : i32
    %get3A_135 = arith.index_cast %get3A_134 : i32 to index
    %get3A_136 = arith.constant 16 : index
    %get3A_137 = tpu.vector_load %arg5[%get3A_135, %get3A_136] {strides = array<i32>} : memref<16x64xf32, #tpu.memory_space<vmem>>, vector<1x16xf32>,
    %get3A_138 = vector.shape_cast %get3A_137 : vector<1x16xf32> to vector<16xf32>
    %add3A_139 = arith.addf %add3A_133, %get3A_138 : vector<16xf32>
    %get3A_140 = arith.constant 4 : i32
    %get3A_141 = arith.index_cast %get3A_140 : i32 to index
    %get3A_142 = arith.constant 16 : index
    %get3A_143 = tpu.vector_load %arg5[%get3A_141, %get3A_142] {strides = array<i32>} : memref<16x64xf32, #tpu.memory_space<vmem>>, vector<1x16xf32>,
    %get3A_144 = vector.shape_cast %get3A_143 : vector<1x16xf32> to vector<16xf32>
    %add3A_145 = arith.addf %add3A_139, %get3A_144 : vector<16xf32>
    %get3A_146 = arith.constant 5 : i32
    %get3A_147 = arith.index_cast %get3A_146 : i32 to index
    %get3A_148 = arith.constant 16 : index
    %get3A_149 = tpu.vector_load %arg5[%get3A_147, %get3A_148] {strides = array<i32>} : memref<16x64xf32, #tpu.memory_space<vmem>>, vector<1x16xf32>,
    %get3A_150 = vector.shape_cast %get3A_149 : vector<1x16xf32> to vector<16xf32>
    %add3A_151 = arith.addf %add3A_145, %get3A_150 : vector<16xf32>
    %get3A_152 = arith.constant 6 : i32
    %get3A_153 = arith.index_cast %get3A_152 : i32 to index
    %get3A_154 = arith.constant 16 : index
    %get3A_155 = tpu.vector_load %arg5[%get3A_153, %get3A_154] {strides = array<i32>} : memref<16x64xf32, #tpu.memory_space<vmem>>, vector<1x16xf32>,
    %get3A_156 = vector.shape_cast %get3A_155 : vector<1x16xf32> to vector<16xf32>
    %add3A_157 = arith.addf %add3A_151, %get3A_156 : vector<16xf32>
    %get3A_158 = arith.constant 7 : i32
    %get3A_159 = arith.index_cast %get3A_158 : i32 to index
    %get3A_160 = arith.constant 16 : index
    %get3A_161 = tpu.vector_load %arg5[%get3A_159, %get3A_160] {strides = array<i32>} : memref<16x64xf32, #tpu.memory_space<vmem>>, vector<1x16xf32>,
    %get3A_162 = vector.shape_cast %get3A_161 : vector<1x16xf32> to vector<16xf32>
    %add3A_163 = arith.addf %add3A_157, %get3A_162 : vector<16xf32>
    %get3A_164 = arith.constant 8 : i32
    %get3A_165 = arith.index_cast %get3A_164 : i32 to index
    %get3A_166 = arith.constant 16 : index
    %get3A_167 = tpu.vector_load %arg5[%get3A_165, %get3A_166] {strides = array<i32>} : memref<16x64xf32, #tpu.memory_space<vmem>>, vector<1x16xf32>,
    %get3A_168 = vector.shape_cast %get3A_167 : vector<1x16xf32> to vector<16xf32>
    %add3A_169 = arith.addf %add3A_163, %get3A_168 : vector<16xf32>
    %get3A_170 = arith.constant 9 : i32
    %get3A_171 = arith.index_cast %get3A_170 : i32 to index
    %get3A_172 = arith.constant 16 : index
    %get3A_173 = tpu.vector_load %arg5[%get3A_171, %get3A_172] {strides = array<i32>} : memref<16x64xf32, #tpu.memory_space<vmem>>, vector<1x16xf32>,
    %get3A_174 = vector.shape_cast %get3A_173 : vector<1x16xf32> to vector<16xf32>
    %add3A_175 = arith.addf %add3A_169, %get3A_174 : vector<16xf32>
    %get3A_176 = arith.constant 10 : i32
    %get3A_177 = arith.index_cast %get3A_176 : i32 to index
    %get3A_178 = arith.constant 16 : index
    %get3A_179 = tpu.vector_load %arg5[%get3A_177, %get3A_178] {strides = array<i32>} : memref<16x64xf32, #tpu.memory_space<vmem>>, vector<1x16xf32>,
    %get3A_180 = vector.shape_cast %get3A_179 : vector<1x16xf32> to vector<16xf32>
    %add3A_181 = arith.addf %add3A_175, %get3A_180 : vector<16xf32>
    %get3A_182 = arith.constant 11 : i32
    %get3A_183 = arith.index_cast %get3A_182 : i32 to index
    %get3A_184 = arith.constant 16 : index
    %get3A_185 = tpu.vector_load %arg5[%get3A_183, %get3A_184] {strides = array<i32>} : memref<16x64xf32, #tpu.memory_space<vmem>>, vector<1x16xf32>,
    %get3A_186 = vector.shape_cast %get3A_185 : vector<1x16xf32> to vector<16xf32>
    %add3A_187 = arith.addf %add3A_181, %get3A_186 : vector<16xf32>
    %get3A_188 = arith.constant 12 : i32
    %get3A_189 = arith.index_cast %get3A_188 : i32 to index
    %get3A_190 = arith.constant 16 : index
    %get3A_191 = tpu.vector_load %arg5[%get3A_189, %get3A_190] {strides = array<i32>} : memref<16x64xf32, #tpu.memory_space<vmem>>, vector<1x16xf32>,
    %get3A_192 = vector.shape_cast %get3A_191 : vector<1x16xf32> to vector<16xf32>
    %add3A_193 = arith.addf %add3A_187, %get3A_192 : vector<16xf32>
    %get3A_194 = arith.constant 13 : i32
    %get3A_195 = arith.index_cast %get3A_194 : i32 to index
    %get3A_196 = arith.constant 16 : index
    %get3A_197 = tpu.vector_load %arg5[%get3A_195, %get3A_196] {strides = array<i32>} : memref<16x64xf32, #tpu.memory_space<vmem>>, vector<1x16xf32>,
    %get3A_198 = vector.shape_cast %get3A_197 : vector<1x16xf32> to vector<16xf32>
    %add3A_199 = arith.addf %add3A_193, %get3A_198 : vector<16xf32>
    %get3A_200 = arith.constant 14 : i32
    %get3A_201 = arith.index_cast %get3A_200 : i32 to index
    %get3A_202 = arith.constant 16 : index
    %get3A_203 = tpu.vector_load %arg5[%get3A_201, %get3A_202] {strides = array<i32>} : memref<16x64xf32, #tpu.memory_space<vmem>>, vector<1x16xf32>,
    %get3A_204 = vector.shape_cast %get3A_203 : vector<1x16xf32> to vector<16xf32>
    %add3A_205 = arith.addf %add3A_199, %get3A_204 : vector<16xf32>
    %get3A_206 = arith.constant 15 : i32
    %get3A_207 = arith.index_cast %get3A_206 : i32 to index
    %get3A_208 = arith.constant 16 : index
    %get3A_209 = tpu.vector_load %arg5[%get3A_207, %get3A_208] {strides = array<i32>} : memref<16x64xf32, #tpu.memory_space<vmem>>, vector<1x16xf32>,
    %get3A_210 = vector.shape_cast %get3A_209 : vector<1x16xf32> to vector<16xf32>
    %add3A_211 = arith.addf %add3A_205, %get3A_210 : vector<16xf32>
    %swap3A_212 = arith.constant 16 : index
    %swap3A_213 = tpu.vector_load %arg6[%swap3A_212] {strides = array<i32>} : memref<128xf32, #tpu.memory_space<vmem>>, vector<16xf32>,
    %swap3A_214 = vector.shape_cast %swap3A_213 : vector<16xf32> to vector<16xf32>
    %swap3A_215 = vector.shape_cast %add3A_211 : vector<16xf32> to vector<16xf32>
    tpu.vector_store %arg6[%swap3A_212], %swap3A_215 {strides = array<i32>} : memref<128xf32, #tpu.memory_space<vmem>>, vector<16xf32>,
    %get3A_216 = arith.constant 0 : i32
    %get3A_217 = arith.index_cast %get3A_216 : i32 to index
    %get3A_218 = arith.constant 32 : index
    %get3A_219 = tpu.vector_load %arg5[%get3A_217, %get3A_218] {strides = array<i32>} : memref<16x64xf32, #tpu.memory_space<vmem>>, vector<1x16xf32>,
    %get3A_220 = vector.shape_cast %get3A_219 : vector<1x16xf32> to vector<16xf32>
    %get3A_221 = arith.constant 1 : i32
    %get3A_222 = arith.index_cast %get3A_221 : i32 to index
    %get3A_223 = arith.constant 32 : index
    %get3A_224 = tpu.vector_load %arg5[%get3A_222, %get3A_223] {strides = array<i32>} : memref<16x64xf32, #tpu.memory_space<vmem>>, vector<1x16xf32>,
    %get3A_225 = vector.shape_cast %get3A_224 : vector<1x16xf32> to vector<16xf32>
    %add3A_226 = arith.addf %get3A_220, %get3A_225 : vector<16xf32>
    %get3A_227 = arith.constant 2 : i32
    %get3A_228 = arith.index_cast %get3A_227 : i32 to index
    %get3A_229 = arith.constant 32 : index
    %get3A_230 = tpu.vector_load %arg5[%get3A_228, %get3A_229] {strides = array<i32>} : memref<16x64xf32, #tpu.memory_space<vmem>>, vector<1x16xf32>,
    %get3A_231 = vector.shape_cast %get3A_230 : vector<1x16xf32> to vector<16xf32>
    %add3A_232 = arith.addf %add3A_226, %get3A_231 : vector<16xf32>
    %get3A_233 = arith.constant 3 : i32
    %get3A_234 = arith.index_cast %get3A_233 : i32 to index
    %get3A_235 = arith.constant 32 : index
    %get3A_236 = tpu.vector_load %arg5[%get3A_234, %get3A_235] {strides = array<i32>} : memref<16x64xf32, #tpu.memory_space<vmem>>, vector<1x16xf32>,
    %get3A_237 = vector.shape_cast %get3A_236 : vector<1x16xf32> to vector<16xf32>
    %add3A_238 = arith.addf %add3A_232, %get3A_237 : vector<16xf32>
    %get3A_239 = arith.constant 4 : i32
    %get3A_240 = arith.index_cast %get3A_239 : i32 to index
    %get3A_241 = arith.constant 32 : index
    %get3A_242 = tpu.vector_load %arg5[%get3A_240, %get3A_241] {strides = array<i32>} : memref<16x64xf32, #tpu.memory_space<vmem>>, vector<1x16xf32>,
    %get3A_243 = vector.shape_cast %get3A_242 : vector<1x16xf32> to vector<16xf32>
    %add3A_244 = arith.addf %add3A_238, %get3A_243 : vector<16xf32>
    %get3A_245 = arith.constant 5 : i32
    %get3A_246 = arith.index_cast %get3A_245 : i32 to index
    %get3A_247 = arith.constant 32 : index
    %get3A_248 = tpu.vector_load %arg5[%get3A_246, %get3A_247] {strides = array<i32>} : memref<16x64xf32, #tpu.memory_space<vmem>>, vector<1x16xf32>,
    %get3A_249 = vector.shape_cast %get3A_248 : vector<1x16xf32> to vector<16xf32>
    %add3A_250 = arith.addf %add3A_244, %get3A_249 : vector<16xf32>
    %get3A_251 = arith.constant 6 : i32
    %get3A_252 = arith.index_cast %get3A_251 : i32 to index
    %get3A_253 = arith.constant 32 : index
    %get3A_254 = tpu.vector_load %arg5[%get3A_252, %get3A_253] {strides = array<i32>} : memref<16x64xf32, #tpu.memory_space<vmem>>, vector<1x16xf32>,
    %get3A_255 = vector.shape_cast %get3A_254 : vector<1x16xf32> to vector<16xf32>
    %add3A_256 = arith.addf %add3A_250, %get3A_255 : vector<16xf32>
    %get3A_257 = arith.constant 7 : i32
    %get3A_258 = arith.index_cast %get3A_257 : i32 to index
    %get3A_259 = arith.constant 32 : index
    %get3A_260 = tpu.vector_load %arg5[%get3A_258, %get3A_259] {strides = array<i32>} : memref<16x64xf32, #tpu.memory_space<vmem>>, vector<1x16xf32>,
    %get3A_261 = vector.shape_cast %get3A_260 : vector<1x16xf32> to vector<16xf32>
    %add3A_262 = arith.addf %add3A_256, %get3A_261 : vector<16xf32>
    %get3A_263 = arith.constant 8 : i32
    %get3A_264 = arith.index_cast %get3A_263 : i32 to index
    %get3A_265 = arith.constant 32 : index
    %get3A_266 = tpu.vector_load %arg5[%get3A_264, %get3A_265] {strides = array<i32>} : memref<16x64xf32, #tpu.memory_space<vmem>>, vector<1x16xf32>,
    %get3A_267 = vector.shape_cast %get3A_266 : vector<1x16xf32> to vector<16xf32>
    %add3A_268 = arith.addf %add3A_262, %get3A_267 : vector<16xf32>
    %get3A_269 = arith.constant 9 : i32
    %get3A_270 = arith.index_cast %get3A_269 : i32 to index
    %get3A_271 = arith.constant 32 : index
    %get3A_272 = tpu.vector_load %arg5[%get3A_270, %get3A_271] {strides = array<i32>} : memref<16x64xf32, #tpu.memory_space<vmem>>, vector<1x16xf32>,
    %get3A_273 = vector.shape_cast %get3A_272 : vector<1x16xf32> to vector<16xf32>
    %add3A_274 = arith.addf %add3A_268, %get3A_273 : vector<16xf32>
    %get3A_275 = arith.constant 10 : i32
    %get3A_276 = arith.index_cast %get3A_275 : i32 to index
    %get3A_277 = arith.constant 32 : index
    %get3A_278 = tpu.vector_load %arg5[%get3A_276, %get3A_277] {strides = array<i32>} : memref<16x64xf32, #tpu.memory_space<vmem>>, vector<1x16xf32>,
    %get3A_279 = vector.shape_cast %get3A_278 : vector<1x16xf32> to vector<16xf32>
    %add3A_280 = arith.addf %add3A_274, %get3A_279 : vector<16xf32>
    %get3A_281 = arith.constant 11 : i32
    %get3A_282 = arith.index_cast %get3A_281 : i32 to index
    %get3A_283 = arith.constant 32 : index
    %get3A_284 = tpu.vector_load %arg5[%get3A_282, %get3A_283] {strides = array<i32>} : memref<16x64xf32, #tpu.memory_space<vmem>>, vector<1x16xf32>,
    %get3A_285 = vector.shape_cast %get3A_284 : vector<1x16xf32> to vector<16xf32>
    %add3A_286 = arith.addf %add3A_280, %get3A_285 : vector<16xf32>
    %get3A_287 = arith.constant 12 : i32
    %get3A_288 = arith.index_cast %get3A_287 : i32 to index
    %get3A_289 = arith.constant 32 : index
    %get3A_290 = tpu.vector_load %arg5[%get3A_288, %get3A_289] {strides = array<i32>} : memref<16x64xf32, #tpu.memory_space<vmem>>, vector<1x16xf32>,
    %get3A_291 = vector.shape_cast %get3A_290 : vector<1x16xf32> to vector<16xf32>
    %add3A_292 = arith.addf %add3A_286, %get3A_291 : vector<16xf32>
    %get3A_293 = arith.constant 13 : i32
    %get3A_294 = arith.index_cast %get3A_293 : i32 to index
    %get3A_295 = arith.constant 32 : index
    %get3A_296 = tpu.vector_load %arg5[%get3A_294, %get3A_295] {strides = array<i32>} : memref<16x64xf32, #tpu.memory_space<vmem>>, vector<1x16xf32>,
    %get3A_297 = vector.shape_cast %get3A_296 : vector<1x16xf32> to vector<16xf32>
    %add3A_298 = arith.addf %add3A_292, %get3A_297 : vector<16xf32>
    %get3A_299 = arith.constant 14 : i32
    %get3A_300 = arith.index_cast %get3A_299 : i32 to index
    %get3A_301 = arith.constant 32 : index
    %get3A_302 = tpu.vector_load %arg5[%get3A_300, %get3A_301] {strides = array<i32>} : memref<16x64xf32, #tpu.memory_space<vmem>>, vector<1x16xf32>,
    %get3A_303 = vector.shape_cast %get3A_302 : vector<1x16xf32> to vector<16xf32>
    %add3A_304 = arith.addf %add3A_298, %get3A_303 : vector<16xf32>
    %get3A_305 = arith.constant 15 : i32
    %get3A_306 = arith.index_cast %get3A_305 : i32 to index
    %get3A_307 = arith.constant 32 : index
    %get3A_308 = tpu.vector_load %arg5[%get3A_306, %get3A_307] {strides = array<i32>} : memref<16x64xf32, #tpu.memory_space<vmem>>, vector<1x16xf32>,
    %get3A_309 = vector.shape_cast %get3A_308 : vector<1x16xf32> to vector<16xf32>
    %add3A_310 = arith.addf %add3A_304, %get3A_309 : vector<16xf32>
    %swap3A_311 = arith.constant 32 : index
    %swap3A_312 = tpu.vector_load %arg6[%swap3A_311] {strides = array<i32>} : memref<128xf32, #tpu.memory_space<vmem>>, vector<16xf32>,
    %swap3A_313 = vector.shape_cast %swap3A_312 : vector<16xf32> to vector<16xf32>
    %swap3A_314 = vector.shape_cast %add3A_310 : vector<16xf32> to vector<16xf32>
    tpu.vector_store %arg6[%swap3A_311], %swap3A_314 {strides = array<i32>} : memref<128xf32, #tpu.memory_space<vmem>>, vector<16xf32>,
    %get3A_315 = arith.constant 0 : i32
    %get3A_316 = arith.index_cast %get3A_315 : i32 to index
    %get3A_317 = arith.constant 48 : index
    %get3A_318 = tpu.vector_load %arg5[%get3A_316, %get3A_317] {strides = array<i32>} : memref<16x64xf32, #tpu.memory_space<vmem>>, vector<1x16xf32>,
    %get3A_319 = vector.shape_cast %get3A_318 : vector<1x16xf32> to vector<16xf32>
    %get3A_320 = arith.constant 1 : i32
    %get3A_321 = arith.index_cast %get3A_320 : i32 to index
    %get3A_322 = arith.constant 48 : index
    %get3A_323 = tpu.vector_load %arg5[%get3A_321, %get3A_322] {strides = array<i32>} : memref<16x64xf32, #tpu.memory_space<vmem>>, vector<1x16xf32>,
    %get3A_324 = vector.shape_cast %get3A_323 : vector<1x16xf32> to vector<16xf32>
    %add3A_325 = arith.addf %get3A_319, %get3A_324 : vector<16xf32>
    %get3A_326 = arith.constant 2 : i32
    %get3A_327 = arith.index_cast %get3A_326 : i32 to index
    %get3A_328 = arith.constant 48 : index
    %get3A_329 = tpu.vector_load %arg5[%get3A_327, %get3A_328] {strides = array<i32>} : memref<16x64xf32, #tpu.memory_space<vmem>>, vector<1x16xf32>,
    %get3A_330 = vector.shape_cast %get3A_329 : vector<1x16xf32> to vector<16xf32>
    %add3A_331 = arith.addf %add3A_325, %get3A_330 : vector<16xf32>
    %get3A_332 = arith.constant 3 : i32
    %get3A_333 = arith.index_cast %get3A_332 : i32 to index
    %get3A_334 = arith.constant 48 : index
    %get3A_335 = tpu.vector_load %arg5[%get3A_333, %get3A_334] {strides = array<i32>} : memref<16x64xf32, #tpu.memory_space<vmem>>, vector<1x16xf32>,
    %get3A_336 = vector.shape_cast %get3A_335 : vector<1x16xf32> to vector<16xf32>
    %add3A_337 = arith.addf %add3A_331, %get3A_336 : vector<16xf32>
    %get3A_338 = arith.constant 4 : i32
    %get3A_339 = arith.index_cast %get3A_338 : i32 to index
    %get3A_340 = arith.constant 48 : index
    %get3A_341 = tpu.vector_load %arg5[%get3A_339, %get3A_340] {strides = array<i32>} : memref<16x64xf32, #tpu.memory_space<vmem>>, vector<1x16xf32>,
    %get3A_342 = vector.shape_cast %get3A_341 : vector<1x16xf32> to vector<16xf32>
    %add3A_343 = arith.addf %add3A_337, %get3A_342 : vector<16xf32>
    %get3A_344 = arith.constant 5 : i32
    %get3A_345 = arith.index_cast %get3A_344 : i32 to index
    %get3A_346 = arith.constant 48 : index
    %get3A_347 = tpu.vector_load %arg5[%get3A_345, %get3A_346] {strides = array<i32>} : memref<16x64xf32, #tpu.memory_space<vmem>>, vector<1x16xf32>,
    %get3A_348 = vector.shape_cast %get3A_347 : vector<1x16xf32> to vector<16xf32>
    %add3A_349 = arith.addf %add3A_343, %get3A_348 : vector<16xf32>
    %get3A_350 = arith.constant 6 : i32
    %get3A_351 = arith.index_cast %get3A_350 : i32 to index
    %get3A_352 = arith.constant 48 : index
    %get3A_353 = tpu.vector_load %arg5[%get3A_351, %get3A_352] {strides = array<i32>} : memref<16x64xf32, #tpu.memory_space<vmem>>, vector<1x16xf32>,
    %get3A_354 = vector.shape_cast %get3A_353 : vector<1x16xf32> to vector<16xf32>
    %add3A_355 = arith.addf %add3A_349, %get3A_354 : vector<16xf32>
    %get3A_356 = arith.constant 7 : i32
    %get3A_357 = arith.index_cast %get3A_356 : i32 to index
    %get3A_358 = arith.constant 48 : index
    %get3A_359 = tpu.vector_load %arg5[%get3A_357, %get3A_358] {strides = array<i32>} : memref<16x64xf32, #tpu.memory_space<vmem>>, vector<1x16xf32>,
    %get3A_360 = vector.shape_cast %get3A_359 : vector<1x16xf32> to vector<16xf32>
    %add3A_361 = arith.addf %add3A_355, %get3A_360 : vector<16xf32>
    %get3A_362 = arith.constant 8 : i32
    %get3A_363 = arith.index_cast %get3A_362 : i32 to index
    %get3A_364 = arith.constant 48 : index
    %get3A_365 = tpu.vector_load %arg5[%get3A_363, %get3A_364] {strides = array<i32>} : memref<16x64xf32, #tpu.memory_space<vmem>>, vector<1x16xf32>,
    %get3A_366 = vector.shape_cast %get3A_365 : vector<1x16xf32> to vector<16xf32>
    %add3A_367 = arith.addf %add3A_361, %get3A_366 : vector<16xf32>
    %get3A_368 = arith.constant 9 : i32
    %get3A_369 = arith.index_cast %get3A_368 : i32 to index
    %get3A_370 = arith.constant 48 : index
    %get3A_371 = tpu.vector_load %arg5[%get3A_369, %get3A_370] {strides = array<i32>} : memref<16x64xf32, #tpu.memory_space<vmem>>, vector<1x16xf32>,
    %get3A_372 = vector.shape_cast %get3A_371 : vector<1x16xf32> to vector<16xf32>
    %add3A_373 = arith.addf %add3A_367, %get3A_372 : vector<16xf32>
    %get3A_374 = arith.constant 10 : i32
    %get3A_375 = arith.index_cast %get3A_374 : i32 to index
    %get3A_376 = arith.constant 48 : index
    %get3A_377 = tpu.vector_load %arg5[%get3A_375, %get3A_376] {strides = array<i32>} : memref<16x64xf32, #tpu.memory_space<vmem>>, vector<1x16xf32>,
    %get3A_378 = vector.shape_cast %get3A_377 : vector<1x16xf32> to vector<16xf32>
    %add3A_379 = arith.addf %add3A_373, %get3A_378 : vector<16xf32>
    %get3A_380 = arith.constant 11 : i32
    %get3A_381 = arith.index_cast %get3A_380 : i32 to index
    %get3A_382 = arith.constant 48 : index
    %get3A_383 = tpu.vector_load %arg5[%get3A_381, %get3A_382] {strides = array<i32>} : memref<16x64xf32, #tpu.memory_space<vmem>>, vector<1x16xf32>,
    %get3A_384 = vector.shape_cast %get3A_383 : vector<1x16xf32> to vector<16xf32>
    %add3A_385 = arith.addf %add3A_379, %get3A_384 : vector<16xf32>
    %get3A_386 = arith.constant 12 : i32
    %get3A_387 = arith.index_cast %get3A_386 : i32 to index
    %get3A_388 = arith.constant 48 : index
    %get3A_389 = tpu.vector_load %arg5[%get3A_387, %get3A_388] {strides = array<i32>} : memref<16x64xf32, #tpu.memory_space<vmem>>, vector<1x16xf32>,
    %get3A_390 = vector.shape_cast %get3A_389 : vector<1x16xf32> to vector<16xf32>
    %add3A_391 = arith.addf %add3A_385, %get3A_390 : vector<16xf32>
    %get3A_392 = arith.constant 13 : i32
    %get3A_393 = arith.index_cast %get3A_392 : i32 to index
    %get3A_394 = arith.constant 48 : index
    %get3A_395 = tpu.vector_load %arg5[%get3A_393, %get3A_394] {strides = array<i32>} : memref<16x64xf32, #tpu.memory_space<vmem>>, vector<1x16xf32>,
    %get3A_396 = vector.shape_cast %get3A_395 : vector<1x16xf32> to vector<16xf32>
    %add3A_397 = arith.addf %add3A_391, %get3A_396 : vector<16xf32>
    %get3A_398 = arith.constant 14 : i32
    %get3A_399 = arith.index_cast %get3A_398 : i32 to index
    %get3A_400 = arith.constant 48 : index
    %get3A_401 = tpu.vector_load %arg5[%get3A_399, %get3A_400] {strides = array<i32>} : memref<16x64xf32, #tpu.memory_space<vmem>>, vector<1x16xf32>,
    %get3A_402 = vector.shape_cast %get3A_401 : vector<1x16xf32> to vector<16xf32>
    %add3A_403 = arith.addf %add3A_397, %get3A_402 : vector<16xf32>
    %get3A_404 = arith.constant 15 : i32
    %get3A_405 = arith.index_cast %get3A_404 : i32 to index
    %get3A_406 = arith.constant 48 : index
    %get3A_407 = tpu.vector_load %arg5[%get3A_405, %get3A_406] {strides = array<i32>} : memref<16x64xf32, #tpu.memory_space<vmem>>, vector<1x16xf32>,
    %get3A_408 = vector.shape_cast %get3A_407 : vector<1x16xf32> to vector<16xf32>
    %add3A_409 = arith.addf %add3A_403, %get3A_408 : vector<16xf32>
    %swap3A_410 = arith.constant 48 : index
    %swap3A_411 = tpu.vector_load %arg6[%swap3A_410] {strides = array<i32>} : memref<128xf32, #tpu.memory_space<vmem>>, vector<16xf32>,
    %swap3A_412 = vector.shape_cast %swap3A_411 : vector<16xf32> to vector<16xf32>
    %swap3A_413 = vector.shape_cast %add3A_409 : vector<16xf32> to vector<16xf32>
    tpu.vector_store %arg6[%swap3A_410], %swap3A_413 {strides = array<i32>} : memref<128xf32, #tpu.memory_space<vmem>>, vector<16xf32>,
    %swap3A_414 = arith.constant 64 : index
    %swap3A_415 = tpu.vector_load %arg6[%swap3A_414] {strides = array<i32>} : memref<128xf32, #tpu.memory_space<vmem>>, vector<16xf32>,
    %swap3A_416 = vector.shape_cast %swap3A_415 : vector<16xf32> to vector<16xf32>
    %swap3A_417 = vector.shape_cast %broadcast_in_dim3A_19 : vector<16xf32> to vector<16xf32>
    tpu.vector_store %arg6[%swap3A_414], %swap3A_417 {strides = array<i32>} : memref<128xf32, #tpu.memory_space<vmem>>, vector<16xf32>,
    %swap3A_418 = arith.constant 80 : index
    %swap3A_419 = tpu.vector_load %arg6[%swap3A_418] {strides = array<i32>} : memref<128xf32, #tpu.memory_space<vmem>>, vector<16xf32>,
    %swap3A_420 = vector.shape_cast %swap3A_419 : vector<16xf32> to vector<16xf32>
    %swap3A_421 = vector.shape_cast %broadcast_in_dim3A_19 : vector<16xf32> to vector<16xf32>
    tpu.vector_store %arg6[%swap3A_418], %swap3A_421 {strides = array<i32>} : memref<128xf32, #tpu.memory_space<vmem>>, vector<16xf32>,
    %swap3A_422 = arith.constant 96 : index
    %swap3A_423 = tpu.vector_load %arg6[%swap3A_422] {strides = array<i32>} : memref<128xf32, #tpu.memory_space<vmem>>, vector<16xf32>,
    %swap3A_424 = vector.shape_cast %swap3A_423 : vector<16xf32> to vector<16xf32>
    %swap3A_425 = vector.shape_cast %broadcast_in_dim3A_19 : vector<16xf32> to vector<16xf32>
    tpu.vector_store %arg6[%swap3A_422], %swap3A_425 {strides = array<i32>} : memref<128xf32, #tpu.memory_space<vmem>>, vector<16xf32>,
    %swap3A_426 = arith.constant 112 : index
    %swap3A_427 = tpu.vector_load %arg6[%swap3A_426] {strides = array<i32>} : memref<128xf32, #tpu.memory_space<vmem>>, vector<16xf32>,
    %swap3A_428 = vector.shape_cast %swap3A_427 : vector<16xf32> to vector<16xf32>
    %swap3A_429 = vector.shape_cast %broadcast_in_dim3A_19 : vector<16xf32> to vector<16xf32>
    tpu.vector_store %arg6[%swap3A_426], %swap3A_429 {strides = array<i32>} : memref<128xf32, #tpu.memory_space<vmem>>, vector<16xf32>,
    %mul3A_430 = arith.constant 128 : i32
    %mul3A_431 = arith.muli %arg1, %mul3A_430 : i32
    "tpu.region"() ({
      %run_scoped3A = tpu.sem_alloc : memref<!tpu.dma_semaphore, #tpu.memory_space<semaphore_mem>>
      %dma_start3A_915 = tpu.memref_slice %arg7[%mul3A_431] : memref<2048xf32, #tpu.memory_space<vmem_shared>> -> memref<128xf32, #tpu.memory_space<vmem_shared>>
      %dma_start3A_916 = tpu.memref_slice %arg7[%mul3A_431] : memref<2048xf32, #tpu.memory_space<vmem_shared>> -> memref<128xf32, #tpu.memory_space<vmem_shared>>
      tpu.enqueue_dma source(%arg6 : memref<128xf32, #tpu.memory_space<vmem>>) target(%dma_start3A_916 : memref<128xf32, #tpu.memory_space<vmem_shared>>) target_semaphore(%run_scoped3A : memref<!tpu.dma_semaphore, #tpu.memory_space<semaphore_mem>>)
      %dma_wait3A_917 = tpu.memref_slice %arg7[%mul3A_431] : memref<2048xf32, #tpu.memory_space<vmem_shared>> -> memref<128xf32, #tpu.memory_space<vmem_shared>>
      %dma_wait3A_918 = tpu.memref_slice %arg7[%mul3A_431] : memref<2048xf32, #tpu.memory_space<vmem_shared>> -> memref<128xf32, #tpu.memory_space<vmem_shared>>
      tpu.wait_dma2 semaphore(%run_scoped3A : memref<!tpu.dma_semaphore, #tpu.memory_space<semaphore_mem>>) src(%arg6 : memref<128xf32, #tpu.memory_space<vmem>>) dst(%dma_wait3A_918 : memref<128xf32, #tpu.memory_space<vmem_shared>>)
      tpu.yield
    }) : () -> ()
    %barrier3A = arith.constant 0 : index
    tpu.barrier barrier_id(%barrier3A)
    "tpu.region"() ({
      %run_scoped3A = tpu.sem_alloc : memref<!tpu.dma_semaphore, #tpu.memory_space<semaphore_mem>>
      tpu.enqueue_dma source(%arg7 : memref<2048xf32, #tpu.memory_space<vmem_shared>>) target(%arg8 : memref<2048xf32, #tpu.memory_space<vmem>>) target_semaphore(%run_scoped3A : memref<!tpu.dma_semaphore, #tpu.memory_space<semaphore_mem>>)
      tpu.wait_dma2 semaphore(%run_scoped3A : memref<!tpu.dma_semaphore, #tpu.memory_space<semaphore_mem>>) src(%arg7 : memref<2048xf32, #tpu.memory_space<vmem_shared>>) dst(%arg8 : memref<2048xf32, #tpu.memory_space<vmem>>)
      tpu.yield
    }) : () -> ()
    %get3A_432 = arith.constant 0 : index
    %get3A_433 = tpu.vector_load %arg8[%get3A_432] {strides = array<i32>} : memref<2048xf32, #tpu.memory_space<vmem>>, vector<16xf32>,
    %get3A_434 = vector.shape_cast %get3A_433 : vector<16xf32> to vector<16xf32>
    %get3A_435 = arith.constant 128 : index
    %get3A_436 = tpu.vector_load %arg8[%get3A_435] {strides = array<i32>} : memref<2048xf32, #tpu.memory_space<vmem>>, vector<16xf32>,
    %get3A_437 = vector.shape_cast %get3A_436 : vector<16xf32> to vector<16xf32>
    %add3A_438 = arith.addf %get3A_434, %get3A_437 : vector<16xf32>
    %get3A_439 = arith.constant 256 : index
    %get3A_440 = tpu.vector_load %arg8[%get3A_439] {strides = array<i32>} : memref<2048xf32, #tpu.memory_space<vmem>>, vector<16xf32>,
    %get3A_441 = vector.shape_cast %get3A_440 : vector<16xf32> to vector<16xf32>
    %add3A_442 = arith.addf %add3A_438, %get3A_441 : vector<16xf32>
    %get3A_443 = arith.constant 384 : index
    %get3A_444 = tpu.vector_load %arg8[%get3A_443] {strides = array<i32>} : memref<2048xf32, #tpu.memory_space<vmem>>, vector<16xf32>,
    %get3A_445 = vector.shape_cast %get3A_444 : vector<16xf32> to vector<16xf32>
    %add3A_446 = arith.addf %add3A_442, %get3A_445 : vector<16xf32>
    %get3A_447 = arith.constant 512 : index
    %get3A_448 = tpu.vector_load %arg8[%get3A_447] {strides = array<i32>} : memref<2048xf32, #tpu.memory_space<vmem>>, vector<16xf32>,
    %get3A_449 = vector.shape_cast %get3A_448 : vector<16xf32> to vector<16xf32>
    %add3A_450 = arith.addf %add3A_446, %get3A_449 : vector<16xf32>
    %get3A_451 = arith.constant 640 : index
    %get3A_452 = tpu.vector_load %arg8[%get3A_451] {strides = array<i32>} : memref<2048xf32, #tpu.memory_space<vmem>>, vector<16xf32>,
    %get3A_453 = vector.shape_cast %get3A_452 : vector<16xf32> to vector<16xf32>
    %add3A_454 = arith.addf %add3A_450, %get3A_453 : vector<16xf32>
    %get3A_455 = arith.constant 768 : index
    %get3A_456 = tpu.vector_load %arg8[%get3A_455] {strides = array<i32>} : memref<2048xf32, #tpu.memory_space<vmem>>, vector<16xf32>,
    %get3A_457 = vector.shape_cast %get3A_456 : vector<16xf32> to vector<16xf32>
    %add3A_458 = arith.addf %add3A_454, %get3A_457 : vector<16xf32>
    %get3A_459 = arith.constant 896 : index
    %get3A_460 = tpu.vector_load %arg8[%get3A_459] {strides = array<i32>} : memref<2048xf32, #tpu.memory_space<vmem>>, vector<16xf32>,
    %get3A_461 = vector.shape_cast %get3A_460 : vector<16xf32> to vector<16xf32>
    %add3A_462 = arith.addf %add3A_458, %get3A_461 : vector<16xf32>
    %get3A_463 = arith.constant 1024 : index
    %get3A_464 = tpu.vector_load %arg8[%get3A_463] {strides = array<i32>} : memref<2048xf32, #tpu.memory_space<vmem>>, vector<16xf32>,
    %get3A_465 = vector.shape_cast %get3A_464 : vector<16xf32> to vector<16xf32>
    %add3A_466 = arith.addf %add3A_462, %get3A_465 : vector<16xf32>
    %get3A_467 = arith.constant 1152 : index
    %get3A_468 = tpu.vector_load %arg8[%get3A_467] {strides = array<i32>} : memref<2048xf32, #tpu.memory_space<vmem>>, vector<16xf32>,
    %get3A_469 = vector.shape_cast %get3A_468 : vector<16xf32> to vector<16xf32>
    %add3A_470 = arith.addf %add3A_466, %get3A_469 : vector<16xf32>
    %get3A_471 = arith.constant 1280 : index
    %get3A_472 = tpu.vector_load %arg8[%get3A_471] {strides = array<i32>} : memref<2048xf32, #tpu.memory_space<vmem>>, vector<16xf32>,
    %get3A_473 = vector.shape_cast %get3A_472 : vector<16xf32> to vector<16xf32>
    %add3A_474 = arith.addf %add3A_470, %get3A_473 : vector<16xf32>
    %get3A_475 = arith.constant 1408 : index
    %get3A_476 = tpu.vector_load %arg8[%get3A_475] {strides = array<i32>} : memref<2048xf32, #tpu.memory_space<vmem>>, vector<16xf32>,
    %get3A_477 = vector.shape_cast %get3A_476 : vector<16xf32> to vector<16xf32>
    %add3A_478 = arith.addf %add3A_474, %get3A_477 : vector<16xf32>
    %get3A_479 = arith.constant 1536 : index
    %get3A_480 = tpu.vector_load %arg8[%get3A_479] {strides = array<i32>} : memref<2048xf32, #tpu.memory_space<vmem>>, vector<16xf32>,
    %get3A_481 = vector.shape_cast %get3A_480 : vector<16xf32> to vector<16xf32>
    %add3A_482 = arith.addf %add3A_478, %get3A_481 : vector<16xf32>
    %get3A_483 = arith.constant 1664 : index
    %get3A_484 = tpu.vector_load %arg8[%get3A_483] {strides = array<i32>} : memref<2048xf32, #tpu.memory_space<vmem>>, vector<16xf32>,
    %get3A_485 = vector.shape_cast %get3A_484 : vector<16xf32> to vector<16xf32>
    %add3A_486 = arith.addf %add3A_482, %get3A_485 : vector<16xf32>
    %get3A_487 = arith.constant 1792 : index
    %get3A_488 = tpu.vector_load %arg8[%get3A_487] {strides = array<i32>} : memref<2048xf32, #tpu.memory_space<vmem>>, vector<16xf32>,
    %get3A_489 = vector.shape_cast %get3A_488 : vector<16xf32> to vector<16xf32>
    %add3A_490 = arith.addf %add3A_486, %get3A_489 : vector<16xf32>
    %get3A_491 = arith.constant 1920 : index
    %get3A_492 = tpu.vector_load %arg8[%get3A_491] {strides = array<i32>} : memref<2048xf32, #tpu.memory_space<vmem>>, vector<16xf32>,
    %get3A_493 = vector.shape_cast %get3A_492 : vector<16xf32> to vector<16xf32>
    %add3A_494 = arith.addf %add3A_490, %get3A_493 : vector<16xf32>
    %mul3A_495 = arith.constant 3.906250e-03 : f32
    %mul3A_496 = vector.broadcast %mul3A_495 : f32 to vector<16xf32>
    %mul3A_497 = arith.mulf %add3A_494, %mul3A_496 : vector<16xf32>
    %get3A_498 = arith.constant 16 : index
    %get3A_499 = tpu.vector_load %arg8[%get3A_498] {strides = array<i32>} : memref<2048xf32, #tpu.memory_space<vmem>>, vector<16xf32>,
    %get3A_500 = vector.shape_cast %get3A_499 : vector<16xf32> to vector<16xf32>
    %get3A_501 = arith.constant 144 : index
    %get3A_502 = tpu.vector_load %arg8[%get3A_501] {strides = array<i32>} : memref<2048xf32, #tpu.memory_space<vmem>>, vector<16xf32>,
    %get3A_503 = vector.shape_cast %get3A_502 : vector<16xf32> to vector<16xf32>
    %add3A_504 = arith.addf %get3A_500, %get3A_503 : vector<16xf32>
    %get3A_505 = arith.constant 272 : index
    %get3A_506 = tpu.vector_load %arg8[%get3A_505] {strides = array<i32>} : memref<2048xf32, #tpu.memory_space<vmem>>, vector<16xf32>,
    %get3A_507 = vector.shape_cast %get3A_506 : vector<16xf32> to vector<16xf32>
    %add3A_508 = arith.addf %add3A_504, %get3A_507 : vector<16xf32>
    %get3A_509 = arith.constant 400 : index
    %get3A_510 = tpu.vector_load %arg8[%get3A_509] {strides = array<i32>} : memref<2048xf32, #tpu.memory_space<vmem>>, vector<16xf32>,
    %get3A_511 = vector.shape_cast %get3A_510 : vector<16xf32> to vector<16xf32>
    %add3A_512 = arith.addf %add3A_508, %get3A_511 : vector<16xf32>
    %get3A_513 = arith.constant 528 : index
    %get3A_514 = tpu.vector_load %arg8[%get3A_513] {strides = array<i32>} : memref<2048xf32, #tpu.memory_space<vmem>>, vector<16xf32>,
    %get3A_515 = vector.shape_cast %get3A_514 : vector<16xf32> to vector<16xf32>
    %add3A_516 = arith.addf %add3A_512, %get3A_515 : vector<16xf32>
    %get3A_517 = arith.constant 656 : index
    %get3A_518 = tpu.vector_load %arg8[%get3A_517] {strides = array<i32>} : memref<2048xf32, #tpu.memory_space<vmem>>, vector<16xf32>,
    %get3A_519 = vector.shape_cast %get3A_518 : vector<16xf32> to vector<16xf32>
    %add3A_520 = arith.addf %add3A_516, %get3A_519 : vector<16xf32>
    %get3A_521 = arith.constant 784 : index
    %get3A_522 = tpu.vector_load %arg8[%get3A_521] {strides = array<i32>} : memref<2048xf32, #tpu.memory_space<vmem>>, vector<16xf32>,
    %get3A_523 = vector.shape_cast %get3A_522 : vector<16xf32> to vector<16xf32>
    %add3A_524 = arith.addf %add3A_520, %get3A_523 : vector<16xf32>
    %get3A_525 = arith.constant 912 : index
    %get3A_526 = tpu.vector_load %arg8[%get3A_525] {strides = array<i32>} : memref<2048xf32, #tpu.memory_space<vmem>>, vector<16xf32>,
    %get3A_527 = vector.shape_cast %get3A_526 : vector<16xf32> to vector<16xf32>
    %add3A_528 = arith.addf %add3A_524, %get3A_527 : vector<16xf32>
    %get3A_529 = arith.constant 1040 : index
    %get3A_530 = tpu.vector_load %arg8[%get3A_529] {strides = array<i32>} : memref<2048xf32, #tpu.memory_space<vmem>>, vector<16xf32>,
    %get3A_531 = vector.shape_cast %get3A_530 : vector<16xf32> to vector<16xf32>
    %add3A_532 = arith.addf %add3A_528, %get3A_531 : vector<16xf32>
    %get3A_533 = arith.constant 1168 : index
    %get3A_534 = tpu.vector_load %arg8[%get3A_533] {strides = array<i32>} : memref<2048xf32, #tpu.memory_space<vmem>>, vector<16xf32>,
    %get3A_535 = vector.shape_cast %get3A_534 : vector<16xf32> to vector<16xf32>
    %add3A_536 = arith.addf %add3A_532, %get3A_535 : vector<16xf32>
    %get3A_537 = arith.constant 1296 : index
    %get3A_538 = tpu.vector_load %arg8[%get3A_537] {strides = array<i32>} : memref<2048xf32, #tpu.memory_space<vmem>>, vector<16xf32>,
    %get3A_539 = vector.shape_cast %get3A_538 : vector<16xf32> to vector<16xf32>
    %add3A_540 = arith.addf %add3A_536, %get3A_539 : vector<16xf32>
    %get3A_541 = arith.constant 1424 : index
    %get3A_542 = tpu.vector_load %arg8[%get3A_541] {strides = array<i32>} : memref<2048xf32, #tpu.memory_space<vmem>>, vector<16xf32>,
    %get3A_543 = vector.shape_cast %get3A_542 : vector<16xf32> to vector<16xf32>
    %add3A_544 = arith.addf %add3A_540, %get3A_543 : vector<16xf32>
    %get3A_545 = arith.constant 1552 : index
    %get3A_546 = tpu.vector_load %arg8[%get3A_545] {strides = array<i32>} : memref<2048xf32, #tpu.memory_space<vmem>>, vector<16xf32>,
    %get3A_547 = vector.shape_cast %get3A_546 : vector<16xf32> to vector<16xf32>
    %add3A_548 = arith.addf %add3A_544, %get3A_547 : vector<16xf32>
    %get3A_549 = arith.constant 1680 : index
    %get3A_550 = tpu.vector_load %arg8[%get3A_549] {strides = array<i32>} : memref<2048xf32, #tpu.memory_space<vmem>>, vector<16xf32>,
    %get3A_551 = vector.shape_cast %get3A_550 : vector<16xf32> to vector<16xf32>
    %add3A_552 = arith.addf %add3A_548, %get3A_551 : vector<16xf32>
    %get3A_553 = arith.constant 1808 : index
    %get3A_554 = tpu.vector_load %arg8[%get3A_553] {strides = array<i32>} : memref<2048xf32, #tpu.memory_space<vmem>>, vector<16xf32>,
    %get3A_555 = vector.shape_cast %get3A_554 : vector<16xf32> to vector<16xf32>
    %add3A_556 = arith.addf %add3A_552, %get3A_555 : vector<16xf32>
    %get3A_557 = arith.constant 1936 : index
    %get3A_558 = tpu.vector_load %arg8[%get3A_557] {strides = array<i32>} : memref<2048xf32, #tpu.memory_space<vmem>>, vector<16xf32>,
    %get3A_559 = vector.shape_cast %get3A_558 : vector<16xf32> to vector<16xf32>
    %add3A_560 = arith.addf %add3A_556, %get3A_559 : vector<16xf32>
    %mul3A_561 = arith.constant 3.906250e-03 : f32
    %mul3A_562 = vector.broadcast %mul3A_561 : f32 to vector<16xf32>
    %mul3A_563 = arith.mulf %add3A_560, %mul3A_562 : vector<16xf32>
    %get3A_564 = arith.constant 32 : index
    %get3A_565 = tpu.vector_load %arg8[%get3A_564] {strides = array<i32>} : memref<2048xf32, #tpu.memory_space<vmem>>, vector<16xf32>,
    %get3A_566 = vector.shape_cast %get3A_565 : vector<16xf32> to vector<16xf32>
    %get3A_567 = arith.constant 160 : index
    %get3A_568 = tpu.vector_load %arg8[%get3A_567] {strides = array<i32>} : memref<2048xf32, #tpu.memory_space<vmem>>, vector<16xf32>,
    %get3A_569 = vector.shape_cast %get3A_568 : vector<16xf32> to vector<16xf32>
    %add3A_570 = arith.addf %get3A_566, %get3A_569 : vector<16xf32>
    %get3A_571 = arith.constant 288 : index
    %get3A_572 = tpu.vector_load %arg8[%get3A_571] {strides = array<i32>} : memref<2048xf32, #tpu.memory_space<vmem>>, vector<16xf32>,
    %get3A_573 = vector.shape_cast %get3A_572 : vector<16xf32> to vector<16xf32>
    %add3A_574 = arith.addf %add3A_570, %get3A_573 : vector<16xf32>
    %get3A_575 = arith.constant 416 : index
    %get3A_576 = tpu.vector_load %arg8[%get3A_575] {strides = array<i32>} : memref<2048xf32, #tpu.memory_space<vmem>>, vector<16xf32>,
    %get3A_577 = vector.shape_cast %get3A_576 : vector<16xf32> to vector<16xf32>
    %add3A_578 = arith.addf %add3A_574, %get3A_577 : vector<16xf32>
    %get3A_579 = arith.constant 544 : index
    %get3A_580 = tpu.vector_load %arg8[%get3A_579] {strides = array<i32>} : memref<2048xf32, #tpu.memory_space<vmem>>, vector<16xf32>,
    %get3A_581 = vector.shape_cast %get3A_580 : vector<16xf32> to vector<16xf32>
    %add3A_582 = arith.addf %add3A_578, %get3A_581 : vector<16xf32>
    %get3A_583 = arith.constant 672 : index
    %get3A_584 = tpu.vector_load %arg8[%get3A_583] {strides = array<i32>} : memref<2048xf32, #tpu.memory_space<vmem>>, vector<16xf32>,
    %get3A_585 = vector.shape_cast %get3A_584 : vector<16xf32> to vector<16xf32>
    %add3A_586 = arith.addf %add3A_582, %get3A_585 : vector<16xf32>
    %get3A_587 = arith.constant 800 : index
    %get3A_588 = tpu.vector_load %arg8[%get3A_587] {strides = array<i32>} : memref<2048xf32, #tpu.memory_space<vmem>>, vector<16xf32>,
    %get3A_589 = vector.shape_cast %get3A_588 : vector<16xf32> to vector<16xf32>
    %add3A_590 = arith.addf %add3A_586, %get3A_589 : vector<16xf32>
    %get3A_591 = arith.constant 928 : index
    %get3A_592 = tpu.vector_load %arg8[%get3A_591] {strides = array<i32>} : memref<2048xf32, #tpu.memory_space<vmem>>, vector<16xf32>,
    %get3A_593 = vector.shape_cast %get3A_592 : vector<16xf32> to vector<16xf32>
    %add3A_594 = arith.addf %add3A_590, %get3A_593 : vector<16xf32>
    %get3A_595 = arith.constant 1056 : index
    %get3A_596 = tpu.vector_load %arg8[%get3A_595] {strides = array<i32>} : memref<2048xf32, #tpu.memory_space<vmem>>, vector<16xf32>,
    %get3A_597 = vector.shape_cast %get3A_596 : vector<16xf32> to vector<16xf32>
    %add3A_598 = arith.addf %add3A_594, %get3A_597 : vector<16xf32>
    %get3A_599 = arith.constant 1184 : index
    %get3A_600 = tpu.vector_load %arg8[%get3A_599] {strides = array<i32>} : memref<2048xf32, #tpu.memory_space<vmem>>, vector<16xf32>,
    %get3A_601 = vector.shape_cast %get3A_600 : vector<16xf32> to vector<16xf32>
    %add3A_602 = arith.addf %add3A_598, %get3A_601 : vector<16xf32>
    %get3A_603 = arith.constant 1312 : index
    %get3A_604 = tpu.vector_load %arg8[%get3A_603] {strides = array<i32>} : memref<2048xf32, #tpu.memory_space<vmem>>, vector<16xf32>,
    %get3A_605 = vector.shape_cast %get3A_604 : vector<16xf32> to vector<16xf32>
    %add3A_606 = arith.addf %add3A_602, %get3A_605 : vector<16xf32>
    %get3A_607 = arith.constant 1440 : index
    %get3A_608 = tpu.vector_load %arg8[%get3A_607] {strides = array<i32>} : memref<2048xf32, #tpu.memory_space<vmem>>, vector<16xf32>,
    %get3A_609 = vector.shape_cast %get3A_608 : vector<16xf32> to vector<16xf32>
    %add3A_610 = arith.addf %add3A_606, %get3A_609 : vector<16xf32>
    %get3A_611 = arith.constant 1568 : index
    %get3A_612 = tpu.vector_load %arg8[%get3A_611] {strides = array<i32>} : memref<2048xf32, #tpu.memory_space<vmem>>, vector<16xf32>,
    %get3A_613 = vector.shape_cast %get3A_612 : vector<16xf32> to vector<16xf32>
    %add3A_614 = arith.addf %add3A_610, %get3A_613 : vector<16xf32>
    %get3A_615 = arith.constant 1696 : index
    %get3A_616 = tpu.vector_load %arg8[%get3A_615] {strides = array<i32>} : memref<2048xf32, #tpu.memory_space<vmem>>, vector<16xf32>,
    %get3A_617 = vector.shape_cast %get3A_616 : vector<16xf32> to vector<16xf32>
    %add3A_618 = arith.addf %add3A_614, %get3A_617 : vector<16xf32>
    %get3A_619 = arith.constant 1824 : index
    %get3A_620 = tpu.vector_load %arg8[%get3A_619] {strides = array<i32>} : memref<2048xf32, #tpu.memory_space<vmem>>, vector<16xf32>,
    %get3A_621 = vector.shape_cast %get3A_620 : vector<16xf32> to vector<16xf32>
    %add3A_622 = arith.addf %add3A_618, %get3A_621 : vector<16xf32>
    %get3A_623 = arith.constant 1952 : index
    %get3A_624 = tpu.vector_load %arg8[%get3A_623] {strides = array<i32>} : memref<2048xf32, #tpu.memory_space<vmem>>, vector<16xf32>,
    %get3A_625 = vector.shape_cast %get3A_624 : vector<16xf32> to vector<16xf32>
    %add3A_626 = arith.addf %add3A_622, %get3A_625 : vector<16xf32>
    %mul3A_627 = arith.constant 3.906250e-03 : f32
    %mul3A_628 = vector.broadcast %mul3A_627 : f32 to vector<16xf32>
    %mul3A_629 = arith.mulf %add3A_626, %mul3A_628 : vector<16xf32>
    %get3A_630 = arith.constant 48 : index
    %get3A_631 = tpu.vector_load %arg8[%get3A_630] {strides = array<i32>} : memref<2048xf32, #tpu.memory_space<vmem>>, vector<16xf32>,
    %get3A_632 = vector.shape_cast %get3A_631 : vector<16xf32> to vector<16xf32>
    %get3A_633 = arith.constant 176 : index
    %get3A_634 = tpu.vector_load %arg8[%get3A_633] {strides = array<i32>} : memref<2048xf32, #tpu.memory_space<vmem>>, vector<16xf32>,
    %get3A_635 = vector.shape_cast %get3A_634 : vector<16xf32> to vector<16xf32>
    %add3A_636 = arith.addf %get3A_632, %get3A_635 : vector<16xf32>
    %get3A_637 = arith.constant 304 : index
    %get3A_638 = tpu.vector_load %arg8[%get3A_637] {strides = array<i32>} : memref<2048xf32, #tpu.memory_space<vmem>>, vector<16xf32>,
    %get3A_639 = vector.shape_cast %get3A_638 : vector<16xf32> to vector<16xf32>
    %add3A_640 = arith.addf %add3A_636, %get3A_639 : vector<16xf32>
    %get3A_641 = arith.constant 432 : index
    %get3A_642 = tpu.vector_load %arg8[%get3A_641] {strides = array<i32>} : memref<2048xf32, #tpu.memory_space<vmem>>, vector<16xf32>,
    %get3A_643 = vector.shape_cast %get3A_642 : vector<16xf32> to vector<16xf32>
    %add3A_644 = arith.addf %add3A_640, %get3A_643 : vector<16xf32>
    %get3A_645 = arith.constant 560 : index
    %get3A_646 = tpu.vector_load %arg8[%get3A_645] {strides = array<i32>} : memref<2048xf32, #tpu.memory_space<vmem>>, vector<16xf32>,
    %get3A_647 = vector.shape_cast %get3A_646 : vector<16xf32> to vector<16xf32>
    %add3A_648 = arith.addf %add3A_644, %get3A_647 : vector<16xf32>
    %get3A_649 = arith.constant 688 : index
    %get3A_650 = tpu.vector_load %arg8[%get3A_649] {strides = array<i32>} : memref<2048xf32, #tpu.memory_space<vmem>>, vector<16xf32>,
    %get3A_651 = vector.shape_cast %get3A_650 : vector<16xf32> to vector<16xf32>
    %add3A_652 = arith.addf %add3A_648, %get3A_651 : vector<16xf32>
    %get3A_653 = arith.constant 816 : index
    %get3A_654 = tpu.vector_load %arg8[%get3A_653] {strides = array<i32>} : memref<2048xf32, #tpu.memory_space<vmem>>, vector<16xf32>,
    %get3A_655 = vector.shape_cast %get3A_654 : vector<16xf32> to vector<16xf32>
    %add3A_656 = arith.addf %add3A_652, %get3A_655 : vector<16xf32>
    %get3A_657 = arith.constant 944 : index
    %get3A_658 = tpu.vector_load %arg8[%get3A_657] {strides = array<i32>} : memref<2048xf32, #tpu.memory_space<vmem>>, vector<16xf32>,
    %get3A_659 = vector.shape_cast %get3A_658 : vector<16xf32> to vector<16xf32>
    %add3A_660 = arith.addf %add3A_656, %get3A_659 : vector<16xf32>
    %get3A_661 = arith.constant 1072 : index
    %get3A_662 = tpu.vector_load %arg8[%get3A_661] {strides = array<i32>} : memref<2048xf32, #tpu.memory_space<vmem>>, vector<16xf32>,
    %get3A_663 = vector.shape_cast %get3A_662 : vector<16xf32> to vector<16xf32>
    %add3A_664 = arith.addf %add3A_660, %get3A_663 : vector<16xf32>
    %get3A_665 = arith.constant 1200 : index
    %get3A_666 = tpu.vector_load %arg8[%get3A_665] {strides = array<i32>} : memref<2048xf32, #tpu.memory_space<vmem>>, vector<16xf32>,
    %get3A_667 = vector.shape_cast %get3A_666 : vector<16xf32> to vector<16xf32>
    %add3A_668 = arith.addf %add3A_664, %get3A_667 : vector<16xf32>
    %get3A_669 = arith.constant 1328 : index
    %get3A_670 = tpu.vector_load %arg8[%get3A_669] {strides = array<i32>} : memref<2048xf32, #tpu.memory_space<vmem>>, vector<16xf32>,
    %get3A_671 = vector.shape_cast %get3A_670 : vector<16xf32> to vector<16xf32>
    %add3A_672 = arith.addf %add3A_668, %get3A_671 : vector<16xf32>
    %get3A_673 = arith.constant 1456 : index
    %get3A_674 = tpu.vector_load %arg8[%get3A_673] {strides = array<i32>} : memref<2048xf32, #tpu.memory_space<vmem>>, vector<16xf32>,
    %get3A_675 = vector.shape_cast %get3A_674 : vector<16xf32> to vector<16xf32>
    %add3A_676 = arith.addf %add3A_672, %get3A_675 : vector<16xf32>
    %get3A_677 = arith.constant 1584 : index
    %get3A_678 = tpu.vector_load %arg8[%get3A_677] {strides = array<i32>} : memref<2048xf32, #tpu.memory_space<vmem>>, vector<16xf32>,
    %get3A_679 = vector.shape_cast %get3A_678 : vector<16xf32> to vector<16xf32>
    %add3A_680 = arith.addf %add3A_676, %get3A_679 : vector<16xf32>
    %get3A_681 = arith.constant 1712 : index
    %get3A_682 = tpu.vector_load %arg8[%get3A_681] {strides = array<i32>} : memref<2048xf32, #tpu.memory_space<vmem>>, vector<16xf32>,
    %get3A_683 = vector.shape_cast %get3A_682 : vector<16xf32> to vector<16xf32>
    %add3A_684 = arith.addf %add3A_680, %get3A_683 : vector<16xf32>
    %get3A_685 = arith.constant 1840 : index
    %get3A_686 = tpu.vector_load %arg8[%get3A_685] {strides = array<i32>} : memref<2048xf32, #tpu.memory_space<vmem>>, vector<16xf32>,
    %get3A_687 = vector.shape_cast %get3A_686 : vector<16xf32> to vector<16xf32>
    %add3A_688 = arith.addf %add3A_684, %get3A_687 : vector<16xf32>
    %get3A_689 = arith.constant 1968 : index
    %get3A_690 = tpu.vector_load %arg8[%get3A_689] {strides = array<i32>} : memref<2048xf32, #tpu.memory_space<vmem>>, vector<16xf32>,
    %get3A_691 = vector.shape_cast %get3A_690 : vector<16xf32> to vector<16xf32>
    %add3A_692 = arith.addf %add3A_688, %get3A_691 : vector<16xf32>
    %mul3A_693 = arith.constant 3.906250e-03 : f32
    %mul3A_694 = vector.broadcast %mul3A_693 : f32 to vector<16xf32>
    %mul3A_695 = arith.mulf %add3A_692, %mul3A_694 : vector<16xf32>
    %dma_wait3A_696 = arith.constant 0 : i32
    %dma_wait3A_697 = tpu.memref_slice %arg2[%add3A_4, %dma_wait3A_696] : memref<4096x64xf32, #tpu.memory_space<hbm>> -> memref<120x64xf32, #tpu.memory_space<hbm>>
    %dma_wait3A_698 = arith.constant 0 : i32
    %dma_wait3A_699 = tpu.memref_slice %arg2[%add3A_4, %dma_wait3A_698] : memref<4096x64xf32, #tpu.memory_space<hbm>> -> memref<120x64xf32, #tpu.memory_space<hbm>>
    tpu.wait_dma2 semaphore(%arg15 : memref<!tpu.dma_semaphore, #tpu.memory_space<semaphore_mem>>) src(%dma_wait3A_699 : memref<120x64xf32, #tpu.memory_space<hbm>>) dst(%arg9 : memref<120x64xf32, #tpu.memory_space<vmem>>)
    %scan3A = arith.constant 0 : i32
    %scan3A_700 = arith.constant 10 : i32
    %scan3A_701 = arith.addi %scan3A, %scan3A_700 : i32
    %scan3A_702 = arith.constant 1 : i32
    %scan3A_703:2 = scf.for %scan3A_915 = %scan3A to %scan3A_701 step %scan3A_702 iter_args(%scan3A_916 = %broadcast_in_dim3A_19, %scan3A_917 = %broadcast_in_dim3A_19) -> (vector<16xf32>, vector<16xf32>)  : i32 {
      %mul3A_918 = arith.constant 12 : i32
      %mul3A_919 = arith.muli %scan3A_915, %mul3A_918 : i32
      %broadcast_in_dim3A_920 = arith.constant 0.000000e+00 : f32
      %broadcast_in_dim3A_921 = vector.broadcast %broadcast_in_dim3A_920 : f32 to vector<16xf32>
      %add3A_922 = arith.constant 0 : i32
      %add3A_923 = arith.addi %mul3A_919, %add3A_922 : i32
      %get3A_924 = arith.index_cast %add3A_923 : i32 to index
      %get3A_925 = arith.constant 0 : index
      %get3A_926 = tpu.vector_load %arg9[%get3A_924, %get3A_925] {strides = array<i32>} : memref<120x64xf32, #tpu.memory_space<vmem>>, vector<1x16xf32>,
      %get3A_927 = vector.shape_cast %get3A_926 : vector<1x16xf32> to vector<16xf32>
      %sub3A_928 = arith.subf %get3A_927, %mul3A_497 : vector<16xf32>
      %mul3A_929 = arith.mulf %sub3A_928, %sub3A_928 : vector<16xf32>
      %add3A_930 = arith.addf %broadcast_in_dim3A_921, %mul3A_929 : vector<16xf32>
      %add3A_931 = arith.constant 0 : i32
      %add3A_932 = arith.addi %mul3A_919, %add3A_931 : i32
      %get3A_933 = arith.index_cast %add3A_932 : i32 to index
      %get3A_934 = arith.constant 16 : index
      %get3A_935 = tpu.vector_load %arg9[%get3A_933, %get3A_934] {strides = array<i32>} : memref<120x64xf32, #tpu.memory_space<vmem>>, vector<1x16xf32>,
      %get3A_936 = vector.shape_cast %get3A_935 : vector<1x16xf32> to vector<16xf32>
      %sub3A_937 = arith.subf %get3A_936, %mul3A_563 : vector<16xf32>
      %mul3A_938 = arith.mulf %sub3A_937, %sub3A_937 : vector<16xf32>
      %add3A_939 = arith.addf %add3A_930, %mul3A_938 : vector<16xf32>
      %add3A_940 = arith.constant 0 : i32
      %add3A_941 = arith.addi %mul3A_919, %add3A_940 : i32
      %get3A_942 = arith.index_cast %add3A_941 : i32 to index
      %get3A_943 = arith.constant 32 : index
      %get3A_944 = tpu.vector_load %arg9[%get3A_942, %get3A_943] {strides = array<i32>} : memref<120x64xf32, #tpu.memory_space<vmem>>, vector<1x16xf32>,
      %get3A_945 = vector.shape_cast %get3A_944 : vector<1x16xf32> to vector<16xf32>
      %sub3A_946 = arith.subf %get3A_945, %mul3A_629 : vector<16xf32>
      %mul3A_947 = arith.mulf %sub3A_946, %sub3A_946 : vector<16xf32>
      %add3A_948 = arith.addf %add3A_939, %mul3A_947 : vector<16xf32>
      %add3A_949 = arith.constant 0 : i32
      %add3A_950 = arith.addi %mul3A_919, %add3A_949 : i32
      %get3A_951 = arith.index_cast %add3A_950 : i32 to index
      %get3A_952 = arith.constant 48 : index
      %get3A_953 = tpu.vector_load %arg9[%get3A_951, %get3A_952] {strides = array<i32>} : memref<120x64xf32, #tpu.memory_space<vmem>>, vector<1x16xf32>,
      %get3A_954 = vector.shape_cast %get3A_953 : vector<1x16xf32> to vector<16xf32>
      %sub3A_955 = arith.subf %get3A_954, %mul3A_695 : vector<16xf32>
      %mul3A_956 = arith.mulf %sub3A_955, %sub3A_955 : vector<16xf32>
      %add3A_957 = arith.addf %add3A_948, %mul3A_956 : vector<16xf32>
      %add3A_958 = arith.addf %scan3A_916, %add3A_957 : vector<16xf32>
      %broadcast_in_dim3A_959 = arith.constant 0.000000e+00 : f32
      %broadcast_in_dim3A_960 = vector.broadcast %broadcast_in_dim3A_959 : f32 to vector<16xf32>
      %add3A_961 = arith.constant 1 : i32
      %add3A_962 = arith.addi %mul3A_919, %add3A_961 : i32
      %get3A_963 = arith.index_cast %add3A_962 : i32 to index
      %get3A_964 = arith.constant 0 : index
      %get3A_965 = tpu.vector_load %arg9[%get3A_963, %get3A_964] {strides = array<i32>} : memref<120x64xf32, #tpu.memory_space<vmem>>, vector<1x16xf32>,
      %get3A_966 = vector.shape_cast %get3A_965 : vector<1x16xf32> to vector<16xf32>
      %sub3A_967 = arith.subf %get3A_966, %mul3A_497 : vector<16xf32>
      %mul3A_968 = arith.mulf %sub3A_967, %sub3A_967 : vector<16xf32>
      %add3A_969 = arith.addf %broadcast_in_dim3A_960, %mul3A_968 : vector<16xf32>
      %add3A_970 = arith.constant 1 : i32
      %add3A_971 = arith.addi %mul3A_919, %add3A_970 : i32
      %get3A_972 = arith.index_cast %add3A_971 : i32 to index
      %get3A_973 = arith.constant 16 : index
      %get3A_974 = tpu.vector_load %arg9[%get3A_972, %get3A_973] {strides = array<i32>} : memref<120x64xf32, #tpu.memory_space<vmem>>, vector<1x16xf32>,
      %get3A_975 = vector.shape_cast %get3A_974 : vector<1x16xf32> to vector<16xf32>
      %sub3A_976 = arith.subf %get3A_975, %mul3A_563 : vector<16xf32>
      %mul3A_977 = arith.mulf %sub3A_976, %sub3A_976 : vector<16xf32>
      %add3A_978 = arith.addf %add3A_969, %mul3A_977 : vector<16xf32>
      %add3A_979 = arith.constant 1 : i32
      %add3A_980 = arith.addi %mul3A_919, %add3A_979 : i32
      %get3A_981 = arith.index_cast %add3A_980 : i32 to index
      %get3A_982 = arith.constant 32 : index
      %get3A_983 = tpu.vector_load %arg9[%get3A_981, %get3A_982] {strides = array<i32>} : memref<120x64xf32, #tpu.memory_space<vmem>>, vector<1x16xf32>,
      %get3A_984 = vector.shape_cast %get3A_983 : vector<1x16xf32> to vector<16xf32>
      %sub3A_985 = arith.subf %get3A_984, %mul3A_629 : vector<16xf32>
      %mul3A_986 = arith.mulf %sub3A_985, %sub3A_985 : vector<16xf32>
      %add3A_987 = arith.addf %add3A_978, %mul3A_986 : vector<16xf32>
      %add3A_988 = arith.constant 1 : i32
      %add3A_989 = arith.addi %mul3A_919, %add3A_988 : i32
      %get3A_990 = arith.index_cast %add3A_989 : i32 to index
      %get3A_991 = arith.constant 48 : index
      %get3A_992 = tpu.vector_load %arg9[%get3A_990, %get3A_991] {strides = array<i32>} : memref<120x64xf32, #tpu.memory_space<vmem>>, vector<1x16xf32>,
      %get3A_993 = vector.shape_cast %get3A_992 : vector<1x16xf32> to vector<16xf32>
      %sub3A_994 = arith.subf %get3A_993, %mul3A_695 : vector<16xf32>
      %mul3A_995 = arith.mulf %sub3A_994, %sub3A_994 : vector<16xf32>
      %add3A_996 = arith.addf %add3A_987, %mul3A_995 : vector<16xf32>
      %add3A_997 = arith.addf %scan3A_917, %add3A_996 : vector<16xf32>
      %broadcast_in_dim3A_998 = arith.constant 0.000000e+00 : f32
      %broadcast_in_dim3A_999 = vector.broadcast %broadcast_in_dim3A_998 : f32 to vector<16xf32>
      %add3A_1000 = arith.constant 2 : i32
      %add3A_1001 = arith.addi %mul3A_919, %add3A_1000 : i32
      %get3A_1002 = arith.index_cast %add3A_1001 : i32 to index
      %get3A_1003 = arith.constant 0 : index
      %get3A_1004 = tpu.vector_load %arg9[%get3A_1002, %get3A_1003] {strides = array<i32>} : memref<120x64xf32, #tpu.memory_space<vmem>>, vector<1x16xf32>,
      %get3A_1005 = vector.shape_cast %get3A_1004 : vector<1x16xf32> to vector<16xf32>
      %sub3A_1006 = arith.subf %get3A_1005, %mul3A_497 : vector<16xf32>
      %mul3A_1007 = arith.mulf %sub3A_1006, %sub3A_1006 : vector<16xf32>
      %add3A_1008 = arith.addf %broadcast_in_dim3A_999, %mul3A_1007 : vector<16xf32>
      %add3A_1009 = arith.constant 2 : i32
      %add3A_1010 = arith.addi %mul3A_919, %add3A_1009 : i32
      %get3A_1011 = arith.index_cast %add3A_1010 : i32 to index
      %get3A_1012 = arith.constant 16 : index
      %get3A_1013 = tpu.vector_load %arg9[%get3A_1011, %get3A_1012] {strides = array<i32>} : memref<120x64xf32, #tpu.memory_space<vmem>>, vector<1x16xf32>,
      %get3A_1014 = vector.shape_cast %get3A_1013 : vector<1x16xf32> to vector<16xf32>
      %sub3A_1015 = arith.subf %get3A_1014, %mul3A_563 : vector<16xf32>
      %mul3A_1016 = arith.mulf %sub3A_1015, %sub3A_1015 : vector<16xf32>
      %add3A_1017 = arith.addf %add3A_1008, %mul3A_1016 : vector<16xf32>
      %add3A_1018 = arith.constant 2 : i32
      %add3A_1019 = arith.addi %mul3A_919, %add3A_1018 : i32
      %get3A_1020 = arith.index_cast %add3A_1019 : i32 to index
      %get3A_1021 = arith.constant 32 : index
      %get3A_1022 = tpu.vector_load %arg9[%get3A_1020, %get3A_1021] {strides = array<i32>} : memref<120x64xf32, #tpu.memory_space<vmem>>, vector<1x16xf32>,
      %get3A_1023 = vector.shape_cast %get3A_1022 : vector<1x16xf32> to vector<16xf32>
      %sub3A_1024 = arith.subf %get3A_1023, %mul3A_629 : vector<16xf32>
      %mul3A_1025 = arith.mulf %sub3A_1024, %sub3A_1024 : vector<16xf32>
      %add3A_1026 = arith.addf %add3A_1017, %mul3A_1025 : vector<16xf32>
      %add3A_1027 = arith.constant 2 : i32
      %add3A_1028 = arith.addi %mul3A_919, %add3A_1027 : i32
      %get3A_1029 = arith.index_cast %add3A_1028 : i32 to index
      %get3A_1030 = arith.constant 48 : index
      %get3A_1031 = tpu.vector_load %arg9[%get3A_1029, %get3A_1030] {strides = array<i32>} : memref<120x64xf32, #tpu.memory_space<vmem>>, vector<1x16xf32>,
      %get3A_1032 = vector.shape_cast %get3A_1031 : vector<1x16xf32> to vector<16xf32>
      %sub3A_1033 = arith.subf %get3A_1032, %mul3A_695 : vector<16xf32>
      %mul3A_1034 = arith.mulf %sub3A_1033, %sub3A_1033 : vector<16xf32>
      %add3A_1035 = arith.addf %add3A_1026, %mul3A_1034 : vector<16xf32>
      %add3A_1036 = arith.addf %add3A_958, %add3A_1035 : vector<16xf32>
      %broadcast_in_dim3A_1037 = arith.constant 0.000000e+00 : f32
      %broadcast_in_dim3A_1038 = vector.broadcast %broadcast_in_dim3A_1037 : f32 to vector<16xf32>
      %add3A_1039 = arith.constant 3 : i32
      %add3A_1040 = arith.addi %mul3A_919, %add3A_1039 : i32
      %get3A_1041 = arith.index_cast %add3A_1040 : i32 to index
      %get3A_1042 = arith.constant 0 : index
      %get3A_1043 = tpu.vector_load %arg9[%get3A_1041, %get3A_1042] {strides = array<i32>} : memref<120x64xf32, #tpu.memory_space<vmem>>, vector<1x16xf32>,
      %get3A_1044 = vector.shape_cast %get3A_1043 : vector<1x16xf32> to vector<16xf32>
      %sub3A_1045 = arith.subf %get3A_1044, %mul3A_497 : vector<16xf32>
      %mul3A_1046 = arith.mulf %sub3A_1045, %sub3A_1045 : vector<16xf32>
      %add3A_1047 = arith.addf %broadcast_in_dim3A_1038, %mul3A_1046 : vector<16xf32>
      %add3A_1048 = arith.constant 3 : i32
      %add3A_1049 = arith.addi %mul3A_919, %add3A_1048 : i32
      %get3A_1050 = arith.index_cast %add3A_1049 : i32 to index
      %get3A_1051 = arith.constant 16 : index
      %get3A_1052 = tpu.vector_load %arg9[%get3A_1050, %get3A_1051] {strides = array<i32>} : memref<120x64xf32, #tpu.memory_space<vmem>>, vector<1x16xf32>,
      %get3A_1053 = vector.shape_cast %get3A_1052 : vector<1x16xf32> to vector<16xf32>
      %sub3A_1054 = arith.subf %get3A_1053, %mul3A_563 : vector<16xf32>
      %mul3A_1055 = arith.mulf %sub3A_1054, %sub3A_1054 : vector<16xf32>
      %add3A_1056 = arith.addf %add3A_1047, %mul3A_1055 : vector<16xf32>
      %add3A_1057 = arith.constant 3 : i32
      %add3A_1058 = arith.addi %mul3A_919, %add3A_1057 : i32
      %get3A_1059 = arith.index_cast %add3A_1058 : i32 to index
      %get3A_1060 = arith.constant 32 : index
      %get3A_1061 = tpu.vector_load %arg9[%get3A_1059, %get3A_1060] {strides = array<i32>} : memref<120x64xf32, #tpu.memory_space<vmem>>, vector<1x16xf32>,
      %get3A_1062 = vector.shape_cast %get3A_1061 : vector<1x16xf32> to vector<16xf32>
      %sub3A_1063 = arith.subf %get3A_1062, %mul3A_629 : vector<16xf32>
      %mul3A_1064 = arith.mulf %sub3A_1063, %sub3A_1063 : vector<16xf32>
      %add3A_1065 = arith.addf %add3A_1056, %mul3A_1064 : vector<16xf32>
      %add3A_1066 = arith.constant 3 : i32
      %add3A_1067 = arith.addi %mul3A_919, %add3A_1066 : i32
      %get3A_1068 = arith.index_cast %add3A_1067 : i32 to index
      %get3A_1069 = arith.constant 48 : index
      %get3A_1070 = tpu.vector_load %arg9[%get3A_1068, %get3A_1069] {strides = array<i32>} : memref<120x64xf32, #tpu.memory_space<vmem>>, vector<1x16xf32>,
      %get3A_1071 = vector.shape_cast %get3A_1070 : vector<1x16xf32> to vector<16xf32>
      %sub3A_1072 = arith.subf %get3A_1071, %mul3A_695 : vector<16xf32>
      %mul3A_1073 = arith.mulf %sub3A_1072, %sub3A_1072 : vector<16xf32>
      %add3A_1074 = arith.addf %add3A_1065, %mul3A_1073 : vector<16xf32>
      %add3A_1075 = arith.addf %add3A_997, %add3A_1074 : vector<16xf32>
      %broadcast_in_dim3A_1076 = arith.constant 0.000000e+00 : f32
      %broadcast_in_dim3A_1077 = vector.broadcast %broadcast_in_dim3A_1076 : f32 to vector<16xf32>
      %add3A_1078 = arith.constant 4 : i32
      %add3A_1079 = arith.addi %mul3A_919, %add3A_1078 : i32
      %get3A_1080 = arith.index_cast %add3A_1079 : i32 to index
      %get3A_1081 = arith.constant 0 : index
      %get3A_1082 = tpu.vector_load %arg9[%get3A_1080, %get3A_1081] {strides = array<i32>} : memref<120x64xf32, #tpu.memory_space<vmem>>, vector<1x16xf32>,
      %get3A_1083 = vector.shape_cast %get3A_1082 : vector<1x16xf32> to vector<16xf32>
      %sub3A_1084 = arith.subf %get3A_1083, %mul3A_497 : vector<16xf32>
      %mul3A_1085 = arith.mulf %sub3A_1084, %sub3A_1084 : vector<16xf32>
      %add3A_1086 = arith.addf %broadcast_in_dim3A_1077, %mul3A_1085 : vector<16xf32>
      %add3A_1087 = arith.constant 4 : i32
      %add3A_1088 = arith.addi %mul3A_919, %add3A_1087 : i32
      %get3A_1089 = arith.index_cast %add3A_1088 : i32 to index
      %get3A_1090 = arith.constant 16 : index
      %get3A_1091 = tpu.vector_load %arg9[%get3A_1089, %get3A_1090] {strides = array<i32>} : memref<120x64xf32, #tpu.memory_space<vmem>>, vector<1x16xf32>,
      %get3A_1092 = vector.shape_cast %get3A_1091 : vector<1x16xf32> to vector<16xf32>
      %sub3A_1093 = arith.subf %get3A_1092, %mul3A_563 : vector<16xf32>
      %mul3A_1094 = arith.mulf %sub3A_1093, %sub3A_1093 : vector<16xf32>
      %add3A_1095 = arith.addf %add3A_1086, %mul3A_1094 : vector<16xf32>
      %add3A_1096 = arith.constant 4 : i32
      %add3A_1097 = arith.addi %mul3A_919, %add3A_1096 : i32
      %get3A_1098 = arith.index_cast %add3A_1097 : i32 to index
      %get3A_1099 = arith.constant 32 : index
      %get3A_1100 = tpu.vector_load %arg9[%get3A_1098, %get3A_1099] {strides = array<i32>} : memref<120x64xf32, #tpu.memory_space<vmem>>, vector<1x16xf32>,
      %get3A_1101 = vector.shape_cast %get3A_1100 : vector<1x16xf32> to vector<16xf32>
      %sub3A_1102 = arith.subf %get3A_1101, %mul3A_629 : vector<16xf32>
      %mul3A_1103 = arith.mulf %sub3A_1102, %sub3A_1102 : vector<16xf32>
      %add3A_1104 = arith.addf %add3A_1095, %mul3A_1103 : vector<16xf32>
      %add3A_1105 = arith.constant 4 : i32
      %add3A_1106 = arith.addi %mul3A_919, %add3A_1105 : i32
      %get3A_1107 = arith.index_cast %add3A_1106 : i32 to index
      %get3A_1108 = arith.constant 48 : index
      %get3A_1109 = tpu.vector_load %arg9[%get3A_1107, %get3A_1108] {strides = array<i32>} : memref<120x64xf32, #tpu.memory_space<vmem>>, vector<1x16xf32>,
      %get3A_1110 = vector.shape_cast %get3A_1109 : vector<1x16xf32> to vector<16xf32>
      %sub3A_1111 = arith.subf %get3A_1110, %mul3A_695 : vector<16xf32>
      %mul3A_1112 = arith.mulf %sub3A_1111, %sub3A_1111 : vector<16xf32>
      %add3A_1113 = arith.addf %add3A_1104, %mul3A_1112 : vector<16xf32>
      %add3A_1114 = arith.addf %add3A_1036, %add3A_1113 : vector<16xf32>
      %broadcast_in_dim3A_1115 = arith.constant 0.000000e+00 : f32
      %broadcast_in_dim3A_1116 = vector.broadcast %broadcast_in_dim3A_1115 : f32 to vector<16xf32>
      %add3A_1117 = arith.constant 5 : i32
      %add3A_1118 = arith.addi %mul3A_919, %add3A_1117 : i32
      %get3A_1119 = arith.index_cast %add3A_1118 : i32 to index
      %get3A_1120 = arith.constant 0 : index
      %get3A_1121 = tpu.vector_load %arg9[%get3A_1119, %get3A_1120] {strides = array<i32>} : memref<120x64xf32, #tpu.memory_space<vmem>>, vector<1x16xf32>,
      %get3A_1122 = vector.shape_cast %get3A_1121 : vector<1x16xf32> to vector<16xf32>
      %sub3A_1123 = arith.subf %get3A_1122, %mul3A_497 : vector<16xf32>
      %mul3A_1124 = arith.mulf %sub3A_1123, %sub3A_1123 : vector<16xf32>
      %add3A_1125 = arith.addf %broadcast_in_dim3A_1116, %mul3A_1124 : vector<16xf32>
      %add3A_1126 = arith.constant 5 : i32
      %add3A_1127 = arith.addi %mul3A_919, %add3A_1126 : i32
      %get3A_1128 = arith.index_cast %add3A_1127 : i32 to index
      %get3A_1129 = arith.constant 16 : index
      %get3A_1130 = tpu.vector_load %arg9[%get3A_1128, %get3A_1129] {strides = array<i32>} : memref<120x64xf32, #tpu.memory_space<vmem>>, vector<1x16xf32>,
      %get3A_1131 = vector.shape_cast %get3A_1130 : vector<1x16xf32> to vector<16xf32>
      %sub3A_1132 = arith.subf %get3A_1131, %mul3A_563 : vector<16xf32>
      %mul3A_1133 = arith.mulf %sub3A_1132, %sub3A_1132 : vector<16xf32>
      %add3A_1134 = arith.addf %add3A_1125, %mul3A_1133 : vector<16xf32>
      %add3A_1135 = arith.constant 5 : i32
      %add3A_1136 = arith.addi %mul3A_919, %add3A_1135 : i32
      %get3A_1137 = arith.index_cast %add3A_1136 : i32 to index
      %get3A_1138 = arith.constant 32 : index
      %get3A_1139 = tpu.vector_load %arg9[%get3A_1137, %get3A_1138] {strides = array<i32>} : memref<120x64xf32, #tpu.memory_space<vmem>>, vector<1x16xf32>,
      %get3A_1140 = vector.shape_cast %get3A_1139 : vector<1x16xf32> to vector<16xf32>
      %sub3A_1141 = arith.subf %get3A_1140, %mul3A_629 : vector<16xf32>
      %mul3A_1142 = arith.mulf %sub3A_1141, %sub3A_1141 : vector<16xf32>
      %add3A_1143 = arith.addf %add3A_1134, %mul3A_1142 : vector<16xf32>
      %add3A_1144 = arith.constant 5 : i32
      %add3A_1145 = arith.addi %mul3A_919, %add3A_1144 : i32
      %get3A_1146 = arith.index_cast %add3A_1145 : i32 to index
      %get3A_1147 = arith.constant 48 : index
      %get3A_1148 = tpu.vector_load %arg9[%get3A_1146, %get3A_1147] {strides = array<i32>} : memref<120x64xf32, #tpu.memory_space<vmem>>, vector<1x16xf32>,
      %get3A_1149 = vector.shape_cast %get3A_1148 : vector<1x16xf32> to vector<16xf32>
      %sub3A_1150 = arith.subf %get3A_1149, %mul3A_695 : vector<16xf32>
      %mul3A_1151 = arith.mulf %sub3A_1150, %sub3A_1150 : vector<16xf32>
      %add3A_1152 = arith.addf %add3A_1143, %mul3A_1151 : vector<16xf32>
      %add3A_1153 = arith.addf %add3A_1075, %add3A_1152 : vector<16xf32>
      %broadcast_in_dim3A_1154 = arith.constant 0.000000e+00 : f32
      %broadcast_in_dim3A_1155 = vector.broadcast %broadcast_in_dim3A_1154 : f32 to vector<16xf32>
      %add3A_1156 = arith.constant 6 : i32
      %add3A_1157 = arith.addi %mul3A_919, %add3A_1156 : i32
      %get3A_1158 = arith.index_cast %add3A_1157 : i32 to index
      %get3A_1159 = arith.constant 0 : index
      %get3A_1160 = tpu.vector_load %arg9[%get3A_1158, %get3A_1159] {strides = array<i32>} : memref<120x64xf32, #tpu.memory_space<vmem>>, vector<1x16xf32>,
      %get3A_1161 = vector.shape_cast %get3A_1160 : vector<1x16xf32> to vector<16xf32>
      %sub3A_1162 = arith.subf %get3A_1161, %mul3A_497 : vector<16xf32>
      %mul3A_1163 = arith.mulf %sub3A_1162, %sub3A_1162 : vector<16xf32>
      %add3A_1164 = arith.addf %broadcast_in_dim3A_1155, %mul3A_1163 : vector<16xf32>
      %add3A_1165 = arith.constant 6 : i32
      %add3A_1166 = arith.addi %mul3A_919, %add3A_1165 : i32
      %get3A_1167 = arith.index_cast %add3A_1166 : i32 to index
      %get3A_1168 = arith.constant 16 : index
      %get3A_1169 = tpu.vector_load %arg9[%get3A_1167, %get3A_1168] {strides = array<i32>} : memref<120x64xf32, #tpu.memory_space<vmem>>, vector<1x16xf32>,
      %get3A_1170 = vector.shape_cast %get3A_1169 : vector<1x16xf32> to vector<16xf32>
      %sub3A_1171 = arith.subf %get3A_1170, %mul3A_563 : vector<16xf32>
      %mul3A_1172 = arith.mulf %sub3A_1171, %sub3A_1171 : vector<16xf32>
      %add3A_1173 = arith.addf %add3A_1164, %mul3A_1172 : vector<16xf32>
      %add3A_1174 = arith.constant 6 : i32
      %add3A_1175 = arith.addi %mul3A_919, %add3A_1174 : i32
      %get3A_1176 = arith.index_cast %add3A_1175 : i32 to index
      %get3A_1177 = arith.constant 32 : index
      %get3A_1178 = tpu.vector_load %arg9[%get3A_1176, %get3A_1177] {strides = array<i32>} : memref<120x64xf32, #tpu.memory_space<vmem>>, vector<1x16xf32>,
      %get3A_1179 = vector.shape_cast %get3A_1178 : vector<1x16xf32> to vector<16xf32>
      %sub3A_1180 = arith.subf %get3A_1179, %mul3A_629 : vector<16xf32>
      %mul3A_1181 = arith.mulf %sub3A_1180, %sub3A_1180 : vector<16xf32>
      %add3A_1182 = arith.addf %add3A_1173, %mul3A_1181 : vector<16xf32>
      %add3A_1183 = arith.constant 6 : i32
      %add3A_1184 = arith.addi %mul3A_919, %add3A_1183 : i32
      %get3A_1185 = arith.index_cast %add3A_1184 : i32 to index
      %get3A_1186 = arith.constant 48 : index
      %get3A_1187 = tpu.vector_load %arg9[%get3A_1185, %get3A_1186] {strides = array<i32>} : memref<120x64xf32, #tpu.memory_space<vmem>>, vector<1x16xf32>,
      %get3A_1188 = vector.shape_cast %get3A_1187 : vector<1x16xf32> to vector<16xf32>
      %sub3A_1189 = arith.subf %get3A_1188, %mul3A_695 : vector<16xf32>
      %mul3A_1190 = arith.mulf %sub3A_1189, %sub3A_1189 : vector<16xf32>
      %add3A_1191 = arith.addf %add3A_1182, %mul3A_1190 : vector<16xf32>
      %add3A_1192 = arith.addf %add3A_1114, %add3A_1191 : vector<16xf32>
      %broadcast_in_dim3A_1193 = arith.constant 0.000000e+00 : f32
      %broadcast_in_dim3A_1194 = vector.broadcast %broadcast_in_dim3A_1193 : f32 to vector<16xf32>
      %add3A_1195 = arith.constant 7 : i32
      %add3A_1196 = arith.addi %mul3A_919, %add3A_1195 : i32
      %get3A_1197 = arith.index_cast %add3A_1196 : i32 to index
      %get3A_1198 = arith.constant 0 : index
      %get3A_1199 = tpu.vector_load %arg9[%get3A_1197, %get3A_1198] {strides = array<i32>} : memref<120x64xf32, #tpu.memory_space<vmem>>, vector<1x16xf32>,
      %get3A_1200 = vector.shape_cast %get3A_1199 : vector<1x16xf32> to vector<16xf32>
      %sub3A_1201 = arith.subf %get3A_1200, %mul3A_497 : vector<16xf32>
      %mul3A_1202 = arith.mulf %sub3A_1201, %sub3A_1201 : vector<16xf32>
      %add3A_1203 = arith.addf %broadcast_in_dim3A_1194, %mul3A_1202 : vector<16xf32>
      %add3A_1204 = arith.constant 7 : i32
      %add3A_1205 = arith.addi %mul3A_919, %add3A_1204 : i32
      %get3A_1206 = arith.index_cast %add3A_1205 : i32 to index
      %get3A_1207 = arith.constant 16 : index
      %get3A_1208 = tpu.vector_load %arg9[%get3A_1206, %get3A_1207] {strides = array<i32>} : memref<120x64xf32, #tpu.memory_space<vmem>>, vector<1x16xf32>,
      %get3A_1209 = vector.shape_cast %get3A_1208 : vector<1x16xf32> to vector<16xf32>
      %sub3A_1210 = arith.subf %get3A_1209, %mul3A_563 : vector<16xf32>
      %mul3A_1211 = arith.mulf %sub3A_1210, %sub3A_1210 : vector<16xf32>
      %add3A_1212 = arith.addf %add3A_1203, %mul3A_1211 : vector<16xf32>
      %add3A_1213 = arith.constant 7 : i32
      %add3A_1214 = arith.addi %mul3A_919, %add3A_1213 : i32
      %get3A_1215 = arith.index_cast %add3A_1214 : i32 to index
      %get3A_1216 = arith.constant 32 : index
      %get3A_1217 = tpu.vector_load %arg9[%get3A_1215, %get3A_1216] {strides = array<i32>} : memref<120x64xf32, #tpu.memory_space<vmem>>, vector<1x16xf32>,
      %get3A_1218 = vector.shape_cast %get3A_1217 : vector<1x16xf32> to vector<16xf32>
      %sub3A_1219 = arith.subf %get3A_1218, %mul3A_629 : vector<16xf32>
      %mul3A_1220 = arith.mulf %sub3A_1219, %sub3A_1219 : vector<16xf32>
      %add3A_1221 = arith.addf %add3A_1212, %mul3A_1220 : vector<16xf32>
      %add3A_1222 = arith.constant 7 : i32
      %add3A_1223 = arith.addi %mul3A_919, %add3A_1222 : i32
      %get3A_1224 = arith.index_cast %add3A_1223 : i32 to index
      %get3A_1225 = arith.constant 48 : index
      %get3A_1226 = tpu.vector_load %arg9[%get3A_1224, %get3A_1225] {strides = array<i32>} : memref<120x64xf32, #tpu.memory_space<vmem>>, vector<1x16xf32>,
      %get3A_1227 = vector.shape_cast %get3A_1226 : vector<1x16xf32> to vector<16xf32>
      %sub3A_1228 = arith.subf %get3A_1227, %mul3A_695 : vector<16xf32>
      %mul3A_1229 = arith.mulf %sub3A_1228, %sub3A_1228 : vector<16xf32>
      %add3A_1230 = arith.addf %add3A_1221, %mul3A_1229 : vector<16xf32>
      %add3A_1231 = arith.addf %add3A_1153, %add3A_1230 : vector<16xf32>
      %broadcast_in_dim3A_1232 = arith.constant 0.000000e+00 : f32
      %broadcast_in_dim3A_1233 = vector.broadcast %broadcast_in_dim3A_1232 : f32 to vector<16xf32>
      %add3A_1234 = arith.constant 8 : i32
      %add3A_1235 = arith.addi %mul3A_919, %add3A_1234 : i32
      %get3A_1236 = arith.index_cast %add3A_1235 : i32 to index
      %get3A_1237 = arith.constant 0 : index
      %get3A_1238 = tpu.vector_load %arg9[%get3A_1236, %get3A_1237] {strides = array<i32>} : memref<120x64xf32, #tpu.memory_space<vmem>>, vector<1x16xf32>,
      %get3A_1239 = vector.shape_cast %get3A_1238 : vector<1x16xf32> to vector<16xf32>
      %sub3A_1240 = arith.subf %get3A_1239, %mul3A_497 : vector<16xf32>
      %mul3A_1241 = arith.mulf %sub3A_1240, %sub3A_1240 : vector<16xf32>
      %add3A_1242 = arith.addf %broadcast_in_dim3A_1233, %mul3A_1241 : vector<16xf32>
      %add3A_1243 = arith.constant 8 : i32
      %add3A_1244 = arith.addi %mul3A_919, %add3A_1243 : i32
      %get3A_1245 = arith.index_cast %add3A_1244 : i32 to index
      %get3A_1246 = arith.constant 16 : index
      %get3A_1247 = tpu.vector_load %arg9[%get3A_1245, %get3A_1246] {strides = array<i32>} : memref<120x64xf32, #tpu.memory_space<vmem>>, vector<1x16xf32>,
      %get3A_1248 = vector.shape_cast %get3A_1247 : vector<1x16xf32> to vector<16xf32>
      %sub3A_1249 = arith.subf %get3A_1248, %mul3A_563 : vector<16xf32>
      %mul3A_1250 = arith.mulf %sub3A_1249, %sub3A_1249 : vector<16xf32>
      %add3A_1251 = arith.addf %add3A_1242, %mul3A_1250 : vector<16xf32>
      %add3A_1252 = arith.constant 8 : i32
      %add3A_1253 = arith.addi %mul3A_919, %add3A_1252 : i32
      %get3A_1254 = arith.index_cast %add3A_1253 : i32 to index
      %get3A_1255 = arith.constant 32 : index
      %get3A_1256 = tpu.vector_load %arg9[%get3A_1254, %get3A_1255] {strides = array<i32>} : memref<120x64xf32, #tpu.memory_space<vmem>>, vector<1x16xf32>,
      %get3A_1257 = vector.shape_cast %get3A_1256 : vector<1x16xf32> to vector<16xf32>
      %sub3A_1258 = arith.subf %get3A_1257, %mul3A_629 : vector<16xf32>
      %mul3A_1259 = arith.mulf %sub3A_1258, %sub3A_1258 : vector<16xf32>
      %add3A_1260 = arith.addf %add3A_1251, %mul3A_1259 : vector<16xf32>
      %add3A_1261 = arith.constant 8 : i32
      %add3A_1262 = arith.addi %mul3A_919, %add3A_1261 : i32
      %get3A_1263 = arith.index_cast %add3A_1262 : i32 to index
      %get3A_1264 = arith.constant 48 : index
      %get3A_1265 = tpu.vector_load %arg9[%get3A_1263, %get3A_1264] {strides = array<i32>} : memref<120x64xf32, #tpu.memory_space<vmem>>, vector<1x16xf32>,
      %get3A_1266 = vector.shape_cast %get3A_1265 : vector<1x16xf32> to vector<16xf32>
      %sub3A_1267 = arith.subf %get3A_1266, %mul3A_695 : vector<16xf32>
      %mul3A_1268 = arith.mulf %sub3A_1267, %sub3A_1267 : vector<16xf32>
      %add3A_1269 = arith.addf %add3A_1260, %mul3A_1268 : vector<16xf32>
      %add3A_1270 = arith.addf %add3A_1192, %add3A_1269 : vector<16xf32>
      %broadcast_in_dim3A_1271 = arith.constant 0.000000e+00 : f32
      %broadcast_in_dim3A_1272 = vector.broadcast %broadcast_in_dim3A_1271 : f32 to vector<16xf32>
      %add3A_1273 = arith.constant 9 : i32
      %add3A_1274 = arith.addi %mul3A_919, %add3A_1273 : i32
      %get3A_1275 = arith.index_cast %add3A_1274 : i32 to index
      %get3A_1276 = arith.constant 0 : index
      %get3A_1277 = tpu.vector_load %arg9[%get3A_1275, %get3A_1276] {strides = array<i32>} : memref<120x64xf32, #tpu.memory_space<vmem>>, vector<1x16xf32>,
      %get3A_1278 = vector.shape_cast %get3A_1277 : vector<1x16xf32> to vector<16xf32>
      %sub3A_1279 = arith.subf %get3A_1278, %mul3A_497 : vector<16xf32>
      %mul3A_1280 = arith.mulf %sub3A_1279, %sub3A_1279 : vector<16xf32>
      %add3A_1281 = arith.addf %broadcast_in_dim3A_1272, %mul3A_1280 : vector<16xf32>
      %add3A_1282 = arith.constant 9 : i32
      %add3A_1283 = arith.addi %mul3A_919, %add3A_1282 : i32
      %get3A_1284 = arith.index_cast %add3A_1283 : i32 to index
      %get3A_1285 = arith.constant 16 : index
      %get3A_1286 = tpu.vector_load %arg9[%get3A_1284, %get3A_1285] {strides = array<i32>} : memref<120x64xf32, #tpu.memory_space<vmem>>, vector<1x16xf32>,
      %get3A_1287 = vector.shape_cast %get3A_1286 : vector<1x16xf32> to vector<16xf32>
      %sub3A_1288 = arith.subf %get3A_1287, %mul3A_563 : vector<16xf32>
      %mul3A_1289 = arith.mulf %sub3A_1288, %sub3A_1288 : vector<16xf32>
      %add3A_1290 = arith.addf %add3A_1281, %mul3A_1289 : vector<16xf32>
      %add3A_1291 = arith.constant 9 : i32
      %add3A_1292 = arith.addi %mul3A_919, %add3A_1291 : i32
      %get3A_1293 = arith.index_cast %add3A_1292 : i32 to index
      %get3A_1294 = arith.constant 32 : index
      %get3A_1295 = tpu.vector_load %arg9[%get3A_1293, %get3A_1294] {strides = array<i32>} : memref<120x64xf32, #tpu.memory_space<vmem>>, vector<1x16xf32>,
      %get3A_1296 = vector.shape_cast %get3A_1295 : vector<1x16xf32> to vector<16xf32>
      %sub3A_1297 = arith.subf %get3A_1296, %mul3A_629 : vector<16xf32>
      %mul3A_1298 = arith.mulf %sub3A_1297, %sub3A_1297 : vector<16xf32>
      %add3A_1299 = arith.addf %add3A_1290, %mul3A_1298 : vector<16xf32>
      %add3A_1300 = arith.constant 9 : i32
      %add3A_1301 = arith.addi %mul3A_919, %add3A_1300 : i32
      %get3A_1302 = arith.index_cast %add3A_1301 : i32 to index
      %get3A_1303 = arith.constant 48 : index
      %get3A_1304 = tpu.vector_load %arg9[%get3A_1302, %get3A_1303] {strides = array<i32>} : memref<120x64xf32, #tpu.memory_space<vmem>>, vector<1x16xf32>,
      %get3A_1305 = vector.shape_cast %get3A_1304 : vector<1x16xf32> to vector<16xf32>
      %sub3A_1306 = arith.subf %get3A_1305, %mul3A_695 : vector<16xf32>
      %mul3A_1307 = arith.mulf %sub3A_1306, %sub3A_1306 : vector<16xf32>
      %add3A_1308 = arith.addf %add3A_1299, %mul3A_1307 : vector<16xf32>
      %add3A_1309 = arith.addf %add3A_1231, %add3A_1308 : vector<16xf32>
      %broadcast_in_dim3A_1310 = arith.constant 0.000000e+00 : f32
      %broadcast_in_dim3A_1311 = vector.broadcast %broadcast_in_dim3A_1310 : f32 to vector<16xf32>
      %add3A_1312 = arith.constant 10 : i32
      %add3A_1313 = arith.addi %mul3A_919, %add3A_1312 : i32
      %get3A_1314 = arith.index_cast %add3A_1313 : i32 to index
      %get3A_1315 = arith.constant 0 : index
      %get3A_1316 = tpu.vector_load %arg9[%get3A_1314, %get3A_1315] {strides = array<i32>} : memref<120x64xf32, #tpu.memory_space<vmem>>, vector<1x16xf32>,
      %get3A_1317 = vector.shape_cast %get3A_1316 : vector<1x16xf32> to vector<16xf32>
      %sub3A_1318 = arith.subf %get3A_1317, %mul3A_497 : vector<16xf32>
      %mul3A_1319 = arith.mulf %sub3A_1318, %sub3A_1318 : vector<16xf32>
      %add3A_1320 = arith.addf %broadcast_in_dim3A_1311, %mul3A_1319 : vector<16xf32>
      %add3A_1321 = arith.constant 10 : i32
      %add3A_1322 = arith.addi %mul3A_919, %add3A_1321 : i32
      %get3A_1323 = arith.index_cast %add3A_1322 : i32 to index
      %get3A_1324 = arith.constant 16 : index
      %get3A_1325 = tpu.vector_load %arg9[%get3A_1323, %get3A_1324] {strides = array<i32>} : memref<120x64xf32, #tpu.memory_space<vmem>>, vector<1x16xf32>,
      %get3A_1326 = vector.shape_cast %get3A_1325 : vector<1x16xf32> to vector<16xf32>
      %sub3A_1327 = arith.subf %get3A_1326, %mul3A_563 : vector<16xf32>
      %mul3A_1328 = arith.mulf %sub3A_1327, %sub3A_1327 : vector<16xf32>
      %add3A_1329 = arith.addf %add3A_1320, %mul3A_1328 : vector<16xf32>
      %add3A_1330 = arith.constant 10 : i32
      %add3A_1331 = arith.addi %mul3A_919, %add3A_1330 : i32
      %get3A_1332 = arith.index_cast %add3A_1331 : i32 to index
      %get3A_1333 = arith.constant 32 : index
      %get3A_1334 = tpu.vector_load %arg9[%get3A_1332, %get3A_1333] {strides = array<i32>} : memref<120x64xf32, #tpu.memory_space<vmem>>, vector<1x16xf32>,
      %get3A_1335 = vector.shape_cast %get3A_1334 : vector<1x16xf32> to vector<16xf32>
      %sub3A_1336 = arith.subf %get3A_1335, %mul3A_629 : vector<16xf32>
      %mul3A_1337 = arith.mulf %sub3A_1336, %sub3A_1336 : vector<16xf32>
      %add3A_1338 = arith.addf %add3A_1329, %mul3A_1337 : vector<16xf32>
      %add3A_1339 = arith.constant 10 : i32
      %add3A_1340 = arith.addi %mul3A_919, %add3A_1339 : i32
      %get3A_1341 = arith.index_cast %add3A_1340 : i32 to index
      %get3A_1342 = arith.constant 48 : index
      %get3A_1343 = tpu.vector_load %arg9[%get3A_1341, %get3A_1342] {strides = array<i32>} : memref<120x64xf32, #tpu.memory_space<vmem>>, vector<1x16xf32>,
      %get3A_1344 = vector.shape_cast %get3A_1343 : vector<1x16xf32> to vector<16xf32>
      %sub3A_1345 = arith.subf %get3A_1344, %mul3A_695 : vector<16xf32>
      %mul3A_1346 = arith.mulf %sub3A_1345, %sub3A_1345 : vector<16xf32>
      %add3A_1347 = arith.addf %add3A_1338, %mul3A_1346 : vector<16xf32>
      %add3A_1348 = arith.addf %add3A_1270, %add3A_1347 : vector<16xf32>
      %broadcast_in_dim3A_1349 = arith.constant 0.000000e+00 : f32
      %broadcast_in_dim3A_1350 = vector.broadcast %broadcast_in_dim3A_1349 : f32 to vector<16xf32>
      %add3A_1351 = arith.constant 11 : i32
      %add3A_1352 = arith.addi %mul3A_919, %add3A_1351 : i32
      %get3A_1353 = arith.index_cast %add3A_1352 : i32 to index
      %get3A_1354 = arith.constant 0 : index
      %get3A_1355 = tpu.vector_load %arg9[%get3A_1353, %get3A_1354] {strides = array<i32>} : memref<120x64xf32, #tpu.memory_space<vmem>>, vector<1x16xf32>,
      %get3A_1356 = vector.shape_cast %get3A_1355 : vector<1x16xf32> to vector<16xf32>
      %sub3A_1357 = arith.subf %get3A_1356, %mul3A_497 : vector<16xf32>
      %mul3A_1358 = arith.mulf %sub3A_1357, %sub3A_1357 : vector<16xf32>
      %add3A_1359 = arith.addf %broadcast_in_dim3A_1350, %mul3A_1358 : vector<16xf32>
      %add3A_1360 = arith.constant 11 : i32
      %add3A_1361 = arith.addi %mul3A_919, %add3A_1360 : i32
      %get3A_1362 = arith.index_cast %add3A_1361 : i32 to index
      %get3A_1363 = arith.constant 16 : index
      %get3A_1364 = tpu.vector_load %arg9[%get3A_1362, %get3A_1363] {strides = array<i32>} : memref<120x64xf32, #tpu.memory_space<vmem>>, vector<1x16xf32>,
      %get3A_1365 = vector.shape_cast %get3A_1364 : vector<1x16xf32> to vector<16xf32>
      %sub3A_1366 = arith.subf %get3A_1365, %mul3A_563 : vector<16xf32>
      %mul3A_1367 = arith.mulf %sub3A_1366, %sub3A_1366 : vector<16xf32>
      %add3A_1368 = arith.addf %add3A_1359, %mul3A_1367 : vector<16xf32>
      %add3A_1369 = arith.constant 11 : i32
      %add3A_1370 = arith.addi %mul3A_919, %add3A_1369 : i32
      %get3A_1371 = arith.index_cast %add3A_1370 : i32 to index
      %get3A_1372 = arith.constant 32 : index
      %get3A_1373 = tpu.vector_load %arg9[%get3A_1371, %get3A_1372] {strides = array<i32>} : memref<120x64xf32, #tpu.memory_space<vmem>>, vector<1x16xf32>,
      %get3A_1374 = vector.shape_cast %get3A_1373 : vector<1x16xf32> to vector<16xf32>
      %sub3A_1375 = arith.subf %get3A_1374, %mul3A_629 : vector<16xf32>
      %mul3A_1376 = arith.mulf %sub3A_1375, %sub3A_1375 : vector<16xf32>
      %add3A_1377 = arith.addf %add3A_1368, %mul3A_1376 : vector<16xf32>
      %add3A_1378 = arith.constant 11 : i32
      %add3A_1379 = arith.addi %mul3A_919, %add3A_1378 : i32
      %get3A_1380 = arith.index_cast %add3A_1379 : i32 to index
      %get3A_1381 = arith.constant 48 : index
      %get3A_1382 = tpu.vector_load %arg9[%get3A_1380, %get3A_1381] {strides = array<i32>} : memref<120x64xf32, #tpu.memory_space<vmem>>, vector<1x16xf32>,
      %get3A_1383 = vector.shape_cast %get3A_1382 : vector<1x16xf32> to vector<16xf32>
      %sub3A_1384 = arith.subf %get3A_1383, %mul3A_695 : vector<16xf32>
      %mul3A_1385 = arith.mulf %sub3A_1384, %sub3A_1384 : vector<16xf32>
      %add3A_1386 = arith.addf %add3A_1377, %mul3A_1385 : vector<16xf32>
      %add3A_1387 = arith.addf %add3A_1309, %add3A_1386 : vector<16xf32>
      scf.yield %add3A_1348, %add3A_1387 : vector<16xf32>, vector<16xf32>
    }
    %scan3A_704 = arith.constant 10 : i32
    %add3A_705 = arith.addf %scan3A_703#0, %scan3A_703#1 : vector<16xf32>
    %dma_wait3A_706 = tpu.memref_slice %arg3[%add3A_4] : memref<4096xi32, #tpu.memory_space<hbm>> -> memref<120xi32, #tpu.memory_space<hbm>>
    %dma_wait3A_707 = tpu.memref_slice %arg3[%add3A_4] : memref<4096xi32, #tpu.memory_space<hbm>> -> memref<120xi32, #tpu.memory_space<hbm>>
    tpu.wait_dma2 semaphore(%arg16 : memref<!tpu.dma_semaphore, #tpu.memory_space<semaphore_mem>>) src(%dma_wait3A_707 : memref<120xi32, #tpu.memory_space<hbm>>) dst(%arg10 : memref<120xi32, #tpu.memory_space<vmem>>)
    %broadcast_in_dim3A_708 = arith.constant 0.000000e+00 : f32
    %broadcast_in_dim3A_709 = vector.broadcast %broadcast_in_dim3A_708 : f32 to vector<16xf32>
    %get3A_710 = arith.constant 0 : index
    %get3A_711 = tpu.vector_load %arg10[%get3A_710] {strides = array<i32>} : memref<120xi32, #tpu.memory_space<vmem>>, vector<16xi32>,
    %get3A_712 = vector.shape_cast %get3A_711 : vector<16xi32> to vector<16xi32>
    %eq3A = arith.constant 0 : i32
    %eq3A_713 = vector.broadcast %eq3A : i32 to vector<16xi32>
    %eq3A_714 = arith.cmpi eq, %get3A_712, %eq3A_713 : vector<16xi32>
    %jit3A = arith.constant 1.000000e+00 : f32
    %jit3A_715 = arith.constant 0.000000e+00 : f32
    %broadcast_in_dim3A_716 = vector.broadcast %jit3A : f32 to vector<16xf32>
    %broadcast_in_dim3A_717 = vector.broadcast %jit3A_715 : f32 to vector<16xf32>
    %select_n3A = arith.select %eq3A_714, %broadcast_in_dim3A_716, %broadcast_in_dim3A_717 : vector<16xi1>, vector<16xf32>
    %add3A_718 = arith.addf %broadcast_in_dim3A_709, %select_n3A : vector<16xf32>
    %get3A_719 = arith.constant 16 : index
    %get3A_720 = tpu.vector_load %arg10[%get3A_719] {strides = array<i32>} : memref<120xi32, #tpu.memory_space<vmem>>, vector<16xi32>,
    %get3A_721 = vector.shape_cast %get3A_720 : vector<16xi32> to vector<16xi32>
    %eq3A_722 = arith.constant 0 : i32
    %eq3A_723 = vector.broadcast %eq3A_722 : i32 to vector<16xi32>
    %eq3A_724 = arith.cmpi eq, %get3A_721, %eq3A_723 : vector<16xi32>
    %jit3A_725 = arith.constant 1.000000e+00 : f32
    %jit3A_726 = arith.constant 0.000000e+00 : f32
    %broadcast_in_dim3A_727 = vector.broadcast %jit3A_725 : f32 to vector<16xf32>
    %broadcast_in_dim3A_728 = vector.broadcast %jit3A_726 : f32 to vector<16xf32>
    %select_n3A_729 = arith.select %eq3A_724, %broadcast_in_dim3A_727, %broadcast_in_dim3A_728 : vector<16xi1>, vector<16xf32>
    %add3A_730 = arith.addf %add3A_718, %select_n3A_729 : vector<16xf32>
    %get3A_731 = arith.constant 32 : index
    %get3A_732 = tpu.vector_load %arg10[%get3A_731] {strides = array<i32>} : memref<120xi32, #tpu.memory_space<vmem>>, vector<16xi32>,
    %get3A_733 = vector.shape_cast %get3A_732 : vector<16xi32> to vector<16xi32>
    %eq3A_734 = arith.constant 0 : i32
    %eq3A_735 = vector.broadcast %eq3A_734 : i32 to vector<16xi32>
    %eq3A_736 = arith.cmpi eq, %get3A_733, %eq3A_735 : vector<16xi32>
    %jit3A_737 = arith.constant 1.000000e+00 : f32
    %jit3A_738 = arith.constant 0.000000e+00 : f32
    %broadcast_in_dim3A_739 = vector.broadcast %jit3A_737 : f32 to vector<16xf32>
    %broadcast_in_dim3A_740 = vector.broadcast %jit3A_738 : f32 to vector<16xf32>
    %select_n3A_741 = arith.select %eq3A_736, %broadcast_in_dim3A_739, %broadcast_in_dim3A_740 : vector<16xi1>, vector<16xf32>
    %add3A_742 = arith.addf %add3A_730, %select_n3A_741 : vector<16xf32>
    %get3A_743 = arith.constant 48 : index
    %get3A_744 = tpu.vector_load %arg10[%get3A_743] {strides = array<i32>} : memref<120xi32, #tpu.memory_space<vmem>>, vector<16xi32>,
    %get3A_745 = vector.shape_cast %get3A_744 : vector<16xi32> to vector<16xi32>
    %eq3A_746 = arith.constant 0 : i32
    %eq3A_747 = vector.broadcast %eq3A_746 : i32 to vector<16xi32>
    %eq3A_748 = arith.cmpi eq, %get3A_745, %eq3A_747 : vector<16xi32>
    %jit3A_749 = arith.constant 1.000000e+00 : f32
    %jit3A_750 = arith.constant 0.000000e+00 : f32
    %broadcast_in_dim3A_751 = vector.broadcast %jit3A_749 : f32 to vector<16xf32>
    %broadcast_in_dim3A_752 = vector.broadcast %jit3A_750 : f32 to vector<16xf32>
    %select_n3A_753 = arith.select %eq3A_748, %broadcast_in_dim3A_751, %broadcast_in_dim3A_752 : vector<16xi1>, vector<16xf32>
    %add3A_754 = arith.addf %add3A_742, %select_n3A_753 : vector<16xf32>
    %get3A_755 = arith.constant 64 : index
    %get3A_756 = tpu.vector_load %arg10[%get3A_755] {strides = array<i32>} : memref<120xi32, #tpu.memory_space<vmem>>, vector<16xi32>,
    %get3A_757 = vector.shape_cast %get3A_756 : vector<16xi32> to vector<16xi32>
    %eq3A_758 = arith.constant 0 : i32
    %eq3A_759 = vector.broadcast %eq3A_758 : i32 to vector<16xi32>
    %eq3A_760 = arith.cmpi eq, %get3A_757, %eq3A_759 : vector<16xi32>
    %jit3A_761 = arith.constant 1.000000e+00 : f32
    %jit3A_762 = arith.constant 0.000000e+00 : f32
    %broadcast_in_dim3A_763 = vector.broadcast %jit3A_761 : f32 to vector<16xf32>
    %broadcast_in_dim3A_764 = vector.broadcast %jit3A_762 : f32 to vector<16xf32>
    %select_n3A_765 = arith.select %eq3A_760, %broadcast_in_dim3A_763, %broadcast_in_dim3A_764 : vector<16xi1>, vector<16xf32>
    %add3A_766 = arith.addf %add3A_754, %select_n3A_765 : vector<16xf32>
    %get3A_767 = arith.constant 80 : index
    %get3A_768 = tpu.vector_load %arg10[%get3A_767] {strides = array<i32>} : memref<120xi32, #tpu.memory_space<vmem>>, vector<16xi32>,
    %get3A_769 = vector.shape_cast %get3A_768 : vector<16xi32> to vector<16xi32>
    %eq3A_770 = arith.constant 0 : i32
    %eq3A_771 = vector.broadcast %eq3A_770 : i32 to vector<16xi32>
    %eq3A_772 = arith.cmpi eq, %get3A_769, %eq3A_771 : vector<16xi32>
    %jit3A_773 = arith.constant 1.000000e+00 : f32
    %jit3A_774 = arith.constant 0.000000e+00 : f32
    %broadcast_in_dim3A_775 = vector.broadcast %jit3A_773 : f32 to vector<16xf32>
    %broadcast_in_dim3A_776 = vector.broadcast %jit3A_774 : f32 to vector<16xf32>
    %select_n3A_777 = arith.select %eq3A_772, %broadcast_in_dim3A_775, %broadcast_in_dim3A_776 : vector<16xi1>, vector<16xf32>
    %add3A_778 = arith.addf %add3A_766, %select_n3A_777 : vector<16xf32>
    %get3A_779 = arith.constant 96 : index
    %get3A_780 = tpu.vector_load %arg10[%get3A_779] {strides = array<i32>} : memref<120xi32, #tpu.memory_space<vmem>>, vector<16xi32>,
    %get3A_781 = vector.shape_cast %get3A_780 : vector<16xi32> to vector<16xi32>
    %eq3A_782 = arith.constant 0 : i32
    %eq3A_783 = vector.broadcast %eq3A_782 : i32 to vector<16xi32>
    %eq3A_784 = arith.cmpi eq, %get3A_781, %eq3A_783 : vector<16xi32>
    %jit3A_785 = arith.constant 1.000000e+00 : f32
    %jit3A_786 = arith.constant 0.000000e+00 : f32
    %broadcast_in_dim3A_787 = vector.broadcast %jit3A_785 : f32 to vector<16xf32>
    %broadcast_in_dim3A_788 = vector.broadcast %jit3A_786 : f32 to vector<16xf32>
    %select_n3A_789 = arith.select %eq3A_784, %broadcast_in_dim3A_787, %broadcast_in_dim3A_788 : vector<16xi1>, vector<16xf32>
    %add3A_790 = arith.addf %add3A_778, %select_n3A_789 : vector<16xf32>
    %get3A_791 = arith.constant 104 : index
    %get3A_792 = tpu.vector_load %arg10[%get3A_791] {strides = array<i32>} : memref<120xi32, #tpu.memory_space<vmem>>, vector<16xi32>,
    %get3A_793 = vector.shape_cast %get3A_792 : vector<16xi32> to vector<16xi32>
    %iota3A = tpu.iota {dimensions = array<i32: 0>} : vector<16xi32>
    %eq3A_794 = arith.constant 0 : i32
    %eq3A_795 = vector.broadcast %eq3A_794 : i32 to vector<16xi32>
    %eq3A_796 = arith.cmpi eq, %get3A_793, %eq3A_795 : vector<16xi32>
    %ge3A = arith.constant 8 : i32
    %ge3A_797 = vector.broadcast %ge3A : i32 to vector<16xi32>
    %ge3A_798 = arith.cmpi sge, %iota3A, %ge3A_797 : vector<16xi32>
    %and3A = arith.andi %eq3A_796, %ge3A_798 : vector<16xi1>
    %jit3A_799 = arith.constant 1.000000e+00 : f32
    %jit3A_800 = arith.constant 0.000000e+00 : f32
    %broadcast_in_dim3A_801 = vector.broadcast %jit3A_799 : f32 to vector<16xf32>
    %broadcast_in_dim3A_802 = vector.broadcast %jit3A_800 : f32 to vector<16xf32>
    %select_n3A_803 = arith.select %and3A, %broadcast_in_dim3A_801, %broadcast_in_dim3A_802 : vector<16xi1>, vector<16xf32>
    %add3A_804 = arith.addf %add3A_790, %select_n3A_803 : vector<16xf32>
    %swap3A_805 = arith.constant 0 : index
    %swap3A_806 = tpu.vector_load %arg11[%swap3A_805] {strides = array<i32>} : memref<48xf32, #tpu.memory_space<vmem>>, vector<16xf32>,
    %swap3A_807 = vector.shape_cast %swap3A_806 : vector<16xf32> to vector<16xf32>
    %swap3A_808 = vector.shape_cast %broadcast_in_dim3A_19 : vector<16xf32> to vector<16xf32>
    tpu.vector_store %arg11[%swap3A_805], %swap3A_808 {strides = array<i32>} : memref<48xf32, #tpu.memory_space<vmem>>, vector<16xf32>,
    %swap3A_809 = arith.constant 32 : index
    %swap3A_810 = tpu.vector_load %arg11[%swap3A_809] {strides = array<i32>} : memref<48xf32, #tpu.memory_space<vmem>>, vector<16xf32>,
    %swap3A_811 = vector.shape_cast %swap3A_810 : vector<16xf32> to vector<16xf32>
    %swap3A_812 = vector.shape_cast %broadcast_in_dim3A_19 : vector<16xf32> to vector<16xf32>
    tpu.vector_store %arg11[%swap3A_809], %swap3A_812 {strides = array<i32>} : memref<48xf32, #tpu.memory_space<vmem>>, vector<16xf32>,
    %swap3A_813 = arith.constant 0 : index
    %swap3A_814 = tpu.vector_load %arg12[%swap3A_813] {strides = array<i32>} : memref<48xf32, #tpu.memory_space<vmem>>, vector<16xf32>,
    %swap3A_815 = vector.shape_cast %swap3A_814 : vector<16xf32> to vector<16xf32>
    %swap3A_816 = vector.shape_cast %broadcast_in_dim3A_19 : vector<16xf32> to vector<16xf32>
    tpu.vector_store %arg12[%swap3A_813], %swap3A_816 {strides = array<i32>} : memref<48xf32, #tpu.memory_space<vmem>>, vector<16xf32>,
    %swap3A_817 = arith.constant 32 : index
    %swap3A_818 = tpu.vector_load %arg12[%swap3A_817] {strides = array<i32>} : memref<48xf32, #tpu.memory_space<vmem>>, vector<16xf32>,
    %swap3A_819 = vector.shape_cast %swap3A_818 : vector<16xf32> to vector<16xf32>
    %swap3A_820 = vector.shape_cast %broadcast_in_dim3A_19 : vector<16xf32> to vector<16xf32>
    tpu.vector_store %arg12[%swap3A_817], %swap3A_820 {strides = array<i32>} : memref<48xf32, #tpu.memory_space<vmem>>, vector<16xf32>,
    %swap3A_821 = arith.constant 16 : index
    %swap3A_822 = tpu.vector_load %arg11[%swap3A_821] {strides = array<i32>} : memref<48xf32, #tpu.memory_space<vmem>>, vector<16xf32>,
    %swap3A_823 = vector.shape_cast %swap3A_822 : vector<16xf32> to vector<16xf32>
    %swap3A_824 = vector.shape_cast %add3A_705 : vector<16xf32> to vector<16xf32>
    tpu.vector_store %arg11[%swap3A_821], %swap3A_824 {strides = array<i32>} : memref<48xf32, #tpu.memory_space<vmem>>, vector<16xf32>,
    %swap3A_825 = arith.constant 16 : index
    %swap3A_826 = tpu.vector_load %arg12[%swap3A_825] {strides = array<i32>} : memref<48xf32, #tpu.memory_space<vmem>>, vector<16xf32>,
    %swap3A_827 = vector.shape_cast %swap3A_826 : vector<16xf32> to vector<16xf32>
    %swap3A_828 = vector.shape_cast %add3A_804 : vector<16xf32> to vector<16xf32>
    tpu.vector_store %arg12[%swap3A_825], %swap3A_828 {strides = array<i32>} : memref<48xf32, #tpu.memory_space<vmem>>, vector<16xf32>,
    %get3A_829 = arith.constant 24 : index
    %get3A_830 = tpu.vector_load %arg11[%get3A_829] {strides = array<i32>} : memref<48xf32, #tpu.memory_space<vmem>>, vector<16xf32>,
    %get3A_831 = vector.shape_cast %get3A_830 : vector<16xf32> to vector<16xf32>
    %add3A_832 = arith.addf %add3A_705, %get3A_831 : vector<16xf32>
    %get3A_833 = arith.constant 24 : index
    %get3A_834 = tpu.vector_load %arg12[%get3A_833] {strides = array<i32>} : memref<48xf32, #tpu.memory_space<vmem>>, vector<16xf32>,
    %get3A_835 = vector.shape_cast %get3A_834 : vector<16xf32> to vector<16xf32>
    %add3A_836 = arith.addf %add3A_804, %get3A_835 : vector<16xf32>
    %swap3A_837 = arith.constant 16 : index
    %swap3A_838 = tpu.vector_load %arg11[%swap3A_837] {strides = array<i32>} : memref<48xf32, #tpu.memory_space<vmem>>, vector<16xf32>,
    %swap3A_839 = vector.shape_cast %swap3A_838 : vector<16xf32> to vector<16xf32>
    %swap3A_840 = vector.shape_cast %add3A_832 : vector<16xf32> to vector<16xf32>
    tpu.vector_store %arg11[%swap3A_837], %swap3A_840 {strides = array<i32>} : memref<48xf32, #tpu.memory_space<vmem>>, vector<16xf32>,
    %swap3A_841 = arith.constant 16 : index
    %swap3A_842 = tpu.vector_load %arg12[%swap3A_841] {strides = array<i32>} : memref<48xf32, #tpu.memory_space<vmem>>, vector<16xf32>,
    %swap3A_843 = vector.shape_cast %swap3A_842 : vector<16xf32> to vector<16xf32>
    %swap3A_844 = vector.shape_cast %add3A_836 : vector<16xf32> to vector<16xf32>
    tpu.vector_store %arg12[%swap3A_841], %swap3A_844 {strides = array<i32>} : memref<48xf32, #tpu.memory_space<vmem>>, vector<16xf32>,
    %get3A_845 = arith.constant 20 : index
    %get3A_846 = tpu.vector_load %arg11[%get3A_845] {strides = array<i32>} : memref<48xf32, #tpu.memory_space<vmem>>, vector<16xf32>,
    %get3A_847 = vector.shape_cast %get3A_846 : vector<16xf32> to vector<16xf32>
    %add3A_848 = arith.addf %add3A_832, %get3A_847 : vector<16xf32>
    %get3A_849 = arith.constant 20 : index
    %get3A_850 = tpu.vector_load %arg12[%get3A_849] {strides = array<i32>} : memref<48xf32, #tpu.memory_space<vmem>>, vector<16xf32>,
    %get3A_851 = vector.shape_cast %get3A_850 : vector<16xf32> to vector<16xf32>
    %add3A_852 = arith.addf %add3A_836, %get3A_851 : vector<16xf32>
    %swap3A_853 = arith.constant 16 : index
    %swap3A_854 = tpu.vector_load %arg11[%swap3A_853] {strides = array<i32>} : memref<48xf32, #tpu.memory_space<vmem>>, vector<16xf32>,
    %swap3A_855 = vector.shape_cast %swap3A_854 : vector<16xf32> to vector<16xf32>
    %swap3A_856 = vector.shape_cast %add3A_848 : vector<16xf32> to vector<16xf32>
    tpu.vector_store %arg11[%swap3A_853], %swap3A_856 {strides = array<i32>} : memref<48xf32, #tpu.memory_space<vmem>>, vector<16xf32>,
    %swap3A_857 = arith.constant 16 : index
    %swap3A_858 = tpu.vector_load %arg12[%swap3A_857] {strides = array<i32>} : memref<48xf32, #tpu.memory_space<vmem>>, vector<16xf32>,
    %swap3A_859 = vector.shape_cast %swap3A_858 : vector<16xf32> to vector<16xf32>
    %swap3A_860 = vector.shape_cast %add3A_852 : vector<16xf32> to vector<16xf32>
    tpu.vector_store %arg12[%swap3A_857], %swap3A_860 {strides = array<i32>} : memref<48xf32, #tpu.memory_space<vmem>>, vector<16xf32>,
    %get3A_861 = arith.constant 18 : index
    %get3A_862 = tpu.vector_load %arg11[%get3A_861] {strides = array<i32>} : memref<48xf32, #tpu.memory_space<vmem>>, vector<16xf32>,
    %get3A_863 = vector.shape_cast %get3A_862 : vector<16xf32> to vector<16xf32>
    %add3A_864 = arith.addf %add3A_848, %get3A_863 : vector<16xf32>
    %get3A_865 = arith.constant 18 : index
    %get3A_866 = tpu.vector_load %arg12[%get3A_865] {strides = array<i32>} : memref<48xf32, #tpu.memory_space<vmem>>, vector<16xf32>,
    %get3A_867 = vector.shape_cast %get3A_866 : vector<16xf32> to vector<16xf32>
    %add3A_868 = arith.addf %add3A_852, %get3A_867 : vector<16xf32>
    %swap3A_869 = arith.constant 16 : index
    %swap3A_870 = tpu.vector_load %arg11[%swap3A_869] {strides = array<i32>} : memref<48xf32, #tpu.memory_space<vmem>>, vector<16xf32>,
    %swap3A_871 = vector.shape_cast %swap3A_870 : vector<16xf32> to vector<16xf32>
    %swap3A_872 = vector.shape_cast %add3A_864 : vector<16xf32> to vector<16xf32>
    tpu.vector_store %arg11[%swap3A_869], %swap3A_872 {strides = array<i32>} : memref<48xf32, #tpu.memory_space<vmem>>, vector<16xf32>,
    %swap3A_873 = arith.constant 16 : index
    %swap3A_874 = tpu.vector_load %arg12[%swap3A_873] {strides = array<i32>} : memref<48xf32, #tpu.memory_space<vmem>>, vector<16xf32>,
    %swap3A_875 = vector.shape_cast %swap3A_874 : vector<16xf32> to vector<16xf32>
    %swap3A_876 = vector.shape_cast %add3A_868 : vector<16xf32> to vector<16xf32>
    tpu.vector_store %arg12[%swap3A_873], %swap3A_876 {strides = array<i32>} : memref<48xf32, #tpu.memory_space<vmem>>, vector<16xf32>,
    %get3A_877 = arith.constant 17 : index
    %get3A_878 = tpu.vector_load %arg11[%get3A_877] {strides = array<i32>} : memref<48xf32, #tpu.memory_space<vmem>>, vector<16xf32>,
    %get3A_879 = vector.shape_cast %get3A_878 : vector<16xf32> to vector<16xf32>
    %add3A_880 = arith.addf %add3A_864, %get3A_879 : vector<16xf32>
    %get3A_881 = arith.constant 17 : index
    %get3A_882 = tpu.vector_load %arg12[%get3A_881] {strides = array<i32>} : memref<48xf32, #tpu.memory_space<vmem>>, vector<16xf32>,
    %get3A_883 = vector.shape_cast %get3A_882 : vector<16xf32> to vector<16xf32>
    %add3A_884 = arith.addf %add3A_868, %get3A_883 : vector<16xf32>
    %neg3A = arith.constant 0.000000e+00 : f32
    %neg3A_885 = vector.broadcast %neg3A : f32 to vector<16xf32>
    %neg3A_886 = arith.subf %neg3A_885, %add3A_880 : vector<16xf32>
    %sub3A = arith.subf %neg3A_886, %neg3A_886 : vector<16xf32>
    %mul3A_887 = arith.constant 2.6041668E-4 : f32
    %mul3A_888 = vector.broadcast %mul3A_887 : f32 to vector<16xf32>
    %mul3A_889 = arith.mulf %sub3A, %mul3A_888 : vector<16xf32>
    %mul3A_890 = arith.constant 2.6041668E-4 : f32
    %mul3A_891 = vector.broadcast %mul3A_890 : f32 to vector<16xf32>
    %mul3A_892 = arith.mulf %add3A_884, %mul3A_891 : vector<16xf32>
    %iota3A_893 = tpu.iota {dimensions = array<i32: 0>} : vector<16xi32>
    %eq3A_894 = arith.constant 0 : i32
    %eq3A_895 = vector.broadcast %eq3A_894 : i32 to vector<16xi32>
    %eq3A_896 = arith.cmpi eq, %iota3A_893, %eq3A_895 : vector<16xi32>
    %jit3A_897 = arith.constant 0.000000e+00 : f32
    %broadcast_in_dim3A_898 = vector.broadcast %jit3A_897 : f32 to vector<16xf32>
    %select_n3A_899 = arith.select %eq3A_896, %mul3A_889, %broadcast_in_dim3A_898 : vector<16xi1>, vector<16xf32>
    %swap3A_900 = arith.constant 0 : i32
    %swap3A_901 = arith.index_cast %swap3A_900 : i32 to index
    %swap3A_902 = arith.constant 0 : index
    %swap3A_903 = tpu.vector_load %arg13[%swap3A_901, %swap3A_902] {strides = array<i32>} : memref<2x16xf32, #tpu.memory_space<vmem>>, vector<1x16xf32>,
    %swap3A_904 = vector.shape_cast %swap3A_903 : vector<1x16xf32> to vector<16xf32>
    %swap3A_905 = vector.shape_cast %select_n3A_899 : vector<16xf32> to vector<1x16xf32>
    tpu.vector_store %arg13[%swap3A_901, %swap3A_902], %swap3A_905 {strides = array<i32>} : memref<2x16xf32, #tpu.memory_space<vmem>>, vector<1x16xf32>,
    %jit3A_906 = arith.constant 0.000000e+00 : f32
    %broadcast_in_dim3A_907 = vector.broadcast %jit3A_906 : f32 to vector<16xf32>
    %select_n3A_908 = arith.select %eq3A_896, %mul3A_892, %broadcast_in_dim3A_907 : vector<16xi1>, vector<16xf32>
    %swap3A_909 = arith.constant 1 : i32
    %swap3A_910 = arith.index_cast %swap3A_909 : i32 to index
    %swap3A_911 = arith.constant 0 : index
    %swap3A_912 = tpu.vector_load %arg13[%swap3A_910, %swap3A_911] {strides = array<i32>} : memref<2x16xf32, #tpu.memory_space<vmem>>, vector<1x16xf32>,
    %swap3A_913 = vector.shape_cast %swap3A_912 : vector<1x16xf32> to vector<16xf32>
    %swap3A_914 = vector.shape_cast %select_n3A_908 : vector<16xf32> to vector<1x16xf32>
    tpu.vector_store %arg13[%swap3A_910, %swap3A_911], %swap3A_914 {strides = array<i32>} : memref<2x16xf32, #tpu.memory_space<vmem>>, vector<1x16xf32>,
    "tpu.region"() ({
      %run_scoped3A = tpu.sem_alloc : memref<!tpu.dma_semaphore, #tpu.memory_space<semaphore_mem>>
      %dma_start3A_915 = arith.constant 0 : i32
      %dma_start3A_916 = arith.constant 0 : i32
      %dma_start3A_917 = tpu.memref_slice %arg4[%add3A, %dma_start3A_915, %dma_start3A_916] : memref<32x2x16xf32, #tpu.memory_space<hbm>> -> memref<1x2x16xf32, #tpu.memory_space<hbm>>
      %dma_start3A_918 = tpu.memref_squeeze %dma_start3A_917 : memref<1x2x16xf32, #tpu.memory_space<hbm>> -> memref<2x16xf32, #tpu.memory_space<hbm>>
      %dma_start3A_919 = arith.constant 0 : i32
      %dma_start3A_920 = arith.constant 0 : i32
      %dma_start3A_921 = tpu.memref_slice %arg4[%add3A, %dma_start3A_919, %dma_start3A_920] : memref<32x2x16xf32, #tpu.memory_space<hbm>> -> memref<1x2x16xf32, #tpu.memory_space<hbm>>
      %dma_start3A_922 = tpu.memref_squeeze %dma_start3A_921 : memref<1x2x16xf32, #tpu.memory_space<hbm>> -> memref<2x16xf32, #tpu.memory_space<hbm>>
      tpu.enqueue_dma source(%arg13 : memref<2x16xf32, #tpu.memory_space<vmem>>) target(%dma_start3A_922 : memref<2x16xf32, #tpu.memory_space<hbm>>) target_semaphore(%run_scoped3A : memref<!tpu.dma_semaphore, #tpu.memory_space<semaphore_mem>>)
      %dma_wait3A_923 = arith.constant 0 : i32
      %dma_wait3A_924 = arith.constant 0 : i32
      %dma_wait3A_925 = tpu.memref_slice %arg4[%add3A, %dma_wait3A_923, %dma_wait3A_924] : memref<32x2x16xf32, #tpu.memory_space<hbm>> -> memref<1x2x16xf32, #tpu.memory_space<hbm>>
      %dma_wait3A_926 = tpu.memref_squeeze %dma_wait3A_925 : memref<1x2x16xf32, #tpu.memory_space<hbm>> -> memref<2x16xf32, #tpu.memory_space<hbm>>
      %dma_wait3A_927 = arith.constant 0 : i32
      %dma_wait3A_928 = arith.constant 0 : i32
      %dma_wait3A_929 = tpu.memref_slice %arg4[%add3A, %dma_wait3A_927, %dma_wait3A_928] : memref<32x2x16xf32, #tpu.memory_space<hbm>> -> memref<1x2x16xf32, #tpu.memory_space<hbm>>
      %dma_wait3A_930 = tpu.memref_squeeze %dma_wait3A_929 : memref<1x2x16xf32, #tpu.memory_space<hbm>> -> memref<2x16xf32, #tpu.memory_space<hbm>>
      tpu.wait_dma2 semaphore(%run_scoped3A : memref<!tpu.dma_semaphore, #tpu.memory_space<semaphore_mem>>) src(%arg13 : memref<2x16xf32, #tpu.memory_space<vmem>>) dst(%dma_wait3A_930 : memref<2x16xf32, #tpu.memory_space<hbm>>)
      tpu.yield
    }) : () -> ()
    return
  }
}

</mosaic_0001>

<sc_bundles>
// kernel: kernel.3.cloned.1.call-start
scs
__scs_entry_jumppad:
0x0: {  	(pc) =	sbr.rel $0x88, $3  }
0x1: {  	(tag) =	ssettag $0x0;
	lr =	simm.s32 $0x1  }
0x2: {  	[smem:$0x3F9F] =	sst lr;
	_ =	strace $0xD0000000  }
0x3: {  	_ = 	snop  }
0x4: {  	_ = 	snop  }
0x5: {  	_ = 	snop  }
0x6: {  	_ = 	snop  }
0x7: {  	_ = 	snop  }
__scs_overlays_trampoline_lowered:
0x8: {  	[smem:$0x3FAE] =	sst s0  }
0x9: {  	[smem:$0x3FAF] =	sst s1  }
0xa: {  	[smem:$0x3FB0] =	sst s2  }
0xb: {  	[smem:$0x3FB1] =	sst s3  }
0xc: {  	[smem:$0x3FB2] =	sst s4  }
0xd: {  	[smem:$0x3FB3] =	sst s5  }
0xe: {  	[smem:$0x3FB4] =	sst s6  }
0xf: {  	[smem:$0x3FB5] =	sst s7  }
0x10: {  	[smem:$0x3FB6] =	sst s8  }
0x11: {  	[smem:$0x3FB7] =	sst s9;
	s0 =	simm.s32 @!p0 $0x0  }
0x12: {  	s1 =	sld [smem:$0x3F9D];
	s0 =	simm.s32 @p0 $0x1  }
0x13: {  	[smem:$0x3FB8] =	sst s0;
	s0 =	simm.s32 @!p1 $0x0  }
0x14: {  	s2 =	sld [smem:$0x3F9C];
	s0 =	simm.s32 @p1 $0x1  }
0x15: {  	[smem:$0x3FB9] =	sst s0;
	s0 =	simm.s32 @!p2 $0x0  }
0x16: {  	s3 =	sld [smem:$0x3FDB];
	s0 =	simm.s32 @p2 $0x1  }
0x17: {  	s4 =	simm.s32 $0x1BF5;
	[smem:$0x3FBB] =	sst s0  }
0x18: {  	s0 =	sld [smem:$0x3F9E];
	_ =	swait.ge [sflag:s4], $0x0  }
0x19: {  	s7 =	sld [smem:$0x3F9F]  }
0x1a: {  	s8 =	sadd.s32 $0xFFFFE003, lr  }
0x1b: {  	s9 =	sadd.s32 $0xFFFFFEF7, lr;
	s5 =	simm.s32 $0xFFFFFFFF;
	p2 =	slt.u32 s8, $0xFFFFF086  }
0x1c: {  	p1 =	slt.u32 s9, $0xF7A;
	s5 =	simm.s32 @!p2 $0x0  }
0x1d: {  	s5 =	simm.s32 @p1 $0x1;
	p0 =	seq.s32 s7, s2  }
0x1e: {  	s7 =	smul.u32 @!p0 $0xF7A, s2;
	p2 =	seq.s32 @!p0 s5, $0x0  }
0x1f: {  	s9 =	smul.u32 $0xF7A, s1;
	s8 =	simm.s32 @!p0 $0x1BF5;
	p2 =	por !p2, p0  }
0x20: {  	[sflag:s8] =	ssyncset.s32 @!p0 $0xFFFFF086;
	s6 =	sadd.s32 @!p0 s3, s7;
	s7 =	simm.s32 @!p0 $0x108  }
0x21: {  	s3 =	sadd.s32 s3, s9;
	s6 =	sadd.s32 @!p0 $0x88, s6;
	s7 =	simm.s32 @p2 $0x1082  }
0x22: {  	[simem:s7], [sflag:s8] =	dma.local @!p0 [hbm:s6], $0xF7A  }
0x23: {  	s9 =	sor.u32 $0xD0000000, s2;
	s6 =	simm.s32 $0x108;
	_ =	swait.ge @!p0 [sflag:s8], $0x0  }
0x24: {  	s3 =	sadd.s32 $0x88, s3;
	s6 =	simm.s32 @!p1 $0x1082;
	[sflag:s4] =	ssyncset.s32 $0xFFFFF086  }
0x25: {  	[simem:s6], [sflag:s4] =	dma.local [hbm:s3], $0xF7A  }
0x26: {  	[smem:$0x3F9F] =	sst s1;
	(tag) =	ssettag s2;
	_ =	strace s9  }
0x27: {  	s1 =	sld [smem:$0x3FAF]  }
0x28: {  	s2 =	sld [smem:$0x3FB0]  }
0x29: {  	s4 =	sld [smem:$0x3FB2]  }
0x2a: {  	p0 =	seq.s32 s5, $0x0;
	s5 =	sld [smem:$0x3FB3]  }
0x2b: {  	s6 =	sld [smem:$0x3FB4]  }
0x2c: {  	s7 =	sld [smem:$0x3FB5]  }
0x2d: {  	s3 =	simm.s32 $0x108;
	s8 =	sld [smem:$0x3FB6]  }
0x2e: {  	s3 =	simm.s32 @!p0 $0x1082;
	s9 =	sld [smem:$0x3FB7]  }
0x2f: {  	lr =	sadd.s32 s0, s3;
	s0 =	sld [smem:$0x3FAE]  }
0x30: {  	s3 =	sld [smem:$0x3FB1]  }
0x31: {  	[smem:$0x3FBA] =	sst s10  }
0x32: {  	s10 =	sld [smem:$0x3FB8];
	_ =	sdelay $0x3  }
0x33: {  	p0 =	seq.s32 s10, $0x1;
	s10 =	sld [smem:$0x3FBA];
	_ =	sdelay $0x3  }
0x34: {  	[smem:$0x3FBA] =	sst s10  }
0x35: {  	s10 =	sld [smem:$0x3FB9];
	_ =	sdelay $0x3  }
0x36: {  	p1 =	seq.s32 s10, $0x1;
	s10 =	sld [smem:$0x3FBA];
	_ =	sdelay $0x3  }
0x37: {  	[smem:$0x3FBA] =	sst s10  }
0x38: {  	s10 =	sld [smem:$0x3FBB]  }
0x39: {  	_ = 	snop;
	(pc) =	sbr.ind lr, $3  }
0x3a: {  	_ = 	snop  }
0x3b: {  	_ = 	snop  }
0x3c: {  	p2 =	seq.s32 s10, $0x1;
	s10 =	sld [smem:$0x3FBA]  }
0x3d: {  	_ =	shalt  }
0x3e: {  	_ =	shalt  }
0x3f: {  	_ =	shalt  }
0x40: {  	_ =	shalt  }
0x41: {  	_ =	shalt  }
0x42: {  	_ =	shalt  }
0x43: {  	_ =	shalt  }
0x44: {  	_ =	shalt  }
0x45: {  	_ =	shalt  }
0x46: {  	_ =	shalt  }
0x47: {  	_ =	shalt  }
0x48: {  	_ =	shalt  }
0x49: {  	_ =	shalt  }
0x4a: {  	_ =	shalt  }
0x4b: {  	_ =	shalt  }
0x4c: {  	_ =	shalt  }
0x4d: {  	_ =	shalt  }
0x4e: {  	_ =	shalt  }
0x4f: {  	_ =	shalt  }
0x50: {  	_ =	shalt  }
0x51: {  	_ =	shalt  }
0x52: {  	_ =	shalt  }
0x53: {  	_ =	shalt  }
0x54: {  	_ =	shalt  }
0x55: {  	_ =	shalt  }
0x56: {  	_ =	shalt  }
0x57: {  	_ =	shalt  }
0x58: {  	_ =	shalt  }
0x59: {  	_ =	shalt  }
0x5a: {  	_ =	shalt  }
0x5b: {  	_ =	shalt  }
0x5c: {  	_ =	shalt  }
0x5d: {  	_ =	shalt  }
0x5e: {  	_ =	shalt  }
0x5f: {  	_ =	shalt  }
0x60: {  	_ =	shalt  }
0x61: {  	_ =	shalt  }
0x62: {  	_ =	shalt  }
0x63: {  	_ =	shalt  }
0x64: {  	_ =	shalt  }
0x65: {  	_ =	shalt  }
0x66: {  	_ =	shalt  }
0x67: {  	_ =	shalt  }
0x68: {  	_ =	shalt  }
0x69: {  	_ =	shalt  }
0x6a: {  	_ =	shalt  }
0x6b: {  	_ =	shalt  }
0x6c: {  	_ =	shalt  }
0x6d: {  	_ =	shalt  }
0x6e: {  	_ =	shalt  }
0x6f: {  	_ =	shalt  }
0x70: {  	_ =	shalt  }
0x71: {  	_ =	shalt  }
0x72: {  	_ =	shalt  }
0x73: {  	_ =	shalt  }
0x74: {  	_ =	shalt  }
0x75: {  	_ =	shalt  }
0x76: {  	_ =	shalt  }
0x77: {  	_ =	shalt  }
0x78: {  	_ =	shalt  }
0x79: {  	_ =	shalt  }
0x7a: {  	_ =	shalt  }
0x7b: {  	_ =	shalt  }
0x7c: {  	_ =	shalt  }
0x7d: {  	_ =	shalt  }
0x7e: {  	_ =	shalt  }
0x7f: {  	_ =	shalt  }
0x80: {  	_ =	shalt  }
0x81: {  	_ =	shalt  }
0x82: {  	_ =	shalt  }
0x83: {  	_ =	shalt  }
0x84: {  	_ =	shalt  }
0x85: {  	_ =	shalt  }
0x86: {  	_ =	shalt  }
0x87: {  	_ =	shalt  }
.Lfunc_end0:
.L_simem_size_0:
called_computation_lowered:
.L_overlay_start_0:
0x88: {  	s2 =	sld [smem:$0x3FD9]  }
0x89: {  	s3 =	sld [smem:$0x3FFE];
	_ =	sdelay $0x1  }
0x8a: {  	s1 =	srdreg.scid  }
0x8b: {  	s0 =	sand.u32 $0x1, s1  }
0x8c: {  	s17 =	sshll.u32 s0, $0xA;
	s2 =	sadd.s32 s3, s2  }
0x8d: {  	s2 =	sadd.s32 s2, s17  }
0x8e: {  	[smem:$0x3FC6] =	sst s2  }
0x8f: {  	_ = 	snop  }
0x90: {  	s2 =	sld [smem:$0x3FC8];
	(tm) =	ssettm $0x1  }
0x91: {  	s18 =	sld [smem:$0x3FFB];
	_ =	sdelay $0x3  }
0x92: {  	_ =	strace s18  }
0x93: {  	s3 =	sld [smem:$0x3FFC];
	_ =	sdelay $0x3  }
0x94: {  	_ =	strace s3  }
0x95: {  	s3 =	sld [smem:$0x3FFD];
	_ =	sdelay $0x3  }
0x96: {  	_ =	strace s3  }
0x97: {  	_ =	strace $0x8FFFFFFF  }
0x98: {  	s19 =	sld [smem:$0x3FDB];
	_ =	sdelay $0x1  }
0x99: {  	s4 =	simm.s32 $_scs_section_size  }
0x9a: {  	s5 =	simm.s32 $_size__tile_overlayer_lowered;
	s6 =	simm.s32 $_tile_overlayer_lowered  }
0x9b: {  	s22 =	simm.s32 $0x1BFF;
	s21 =	sshll.u32 s6, $0x1;
	s3 =	sadd.s32 s4, s19  }
0x9c: {  	s7 =	simm.s32 $0x0;
	s20 =	sshll.u32 s5, $0x1;
	s5 =	sadd.s32 s21, s3  }
0x9d: {  	[timem:s7], [sflag:s22] =	dma.local [hbm:s5], s20  }
0x9e: {  	_ =	swait.ge [sflag:s22], s20  }
0x9f: {  	s4 =	ssub.s32 $0x0, s20;
	[sflag:s22] =	ssyncset.done $0x0  }
0xa0: {  	[sflag:s22] =	ssyncadd.s32 s4;
	_ =	sdelay $0x1  }
0xa1: {  	s23 =	simm.s32 $0x1B8B  }
0xa2: {  	_ =	swait.ge [sflag:s23], $0x1  }
0xa3: {  	[sflag:s23] =	ssyncset.done $0x0  }
0xa4: {  	s25 =	simm.s32 $0x1B8E;
	s24 =	sld [smem:$0x3FFE];
	[sflag:s23] =	ssyncadd.s32 $0xFFFFFFFF  }
0xa5: {  	s26 =	simm.s32 $execute0_lowered;
	[smem:$0x3FD2] =	sst s25  }
0xa6: {  	s5 =	sshll.u32 s26, $0x1;
	_ =	strace $0x80000046;
	[dreg:$0x1] =	wrdreg $0xFFFFFFFF  }
0xa7: {  	s28 =	simm.s32 $_size_execute0_lowered;
	s3 =	sadd.s32 s3, s5;
	[dreg:$0x0] =	wrdreg $0x0  }
0xa8: {  	s5 =	sshll.u32 s28, $0x1;
	[dreg:$0x2] =	wrdreg s3  }
0xa9: {  	[dreg:$0x3] =	wrdreg s5  }
0xaa: {  	[dreg:$0x4] =	wrdreg $0xC0  }
0xab: {  	_ =	task [dreg:s7], $0x5FFFF  }
0xac: {  	[dreg:$0x1] =	wrdreg $0xFFFFFFFF  }
0xad: {  	[dreg:$0x0] =	wrdreg $0x60  }
0xae: {  	[dreg:$0x2] =	wrdreg s24  }
0xaf: {  	[dreg:$0x3] =	wrdreg s2  }
0xb0: {  	[dreg:$0x4] =	wrdreg $0x8800  }
0xb1: {  	[dreg:$0x5] =	wrdreg $0x9  }
0xb2: {  	_ =	task.clear_ibuf [dreg:s7], $0x6FFFF;
	_ =	strace $0x90000046  }
0xb3: {  	s29 =	simm.s32 $0x9;
	_ =	strace $0x80000048  }
0xb4: {  	_ =	swait.ge [sflag:s29], $0x1  }
0xb5: {  	[sflag:s29] =	ssyncadd.s32 $0xFFFFFFFF  }
0xb6: {  	_ =	strace $0x90000048  }
0xb7: {  	_ =	sfence  }
0xb8: {  	s30 =	sld [smem:$0x0];
	_ =	sdelay $0x2  }
0xb9: {  	s31 =	sshll.u32 s1, $0xD;
	s1 =	sshrl.u32 s1, $0x2  }
0xba: {  	s3 =	sand.u32 $0x4000, s31;
	s1 =	sadd.s32 s1, s30  }
0xbb: {  	s0 =	sor.u32 s3, s0;
	s1 =	sshll.u32 s1, $0x11  }
0xbc: {  	s0 =	sor.u32 s1, s0  }
0xbd: {  	s0 =	sadd.s32 $0x8F2B, s0  }
0xbe: {  	[sflag:s0] =	ssyncadd.remote.s32 $0x1  }
0xbf: {  	_ =	sfence.sel $0xFFFF  }
0xc0: {  	[dreg:$0x0] =	wrdreg $0xFFFFFFFF;
	(pc) =	sbr.abs _section_cstart, $3  }
0xc1: {  	[dreg:$0x1] =	wrdreg $0xFFFFFFFF  }
0xc2: {  	_ =	task.clear_ibuf [dreg:s7], $0x2FFFF;
	_ =	strace $0x9FFFFFFF  }
0xc3: {  	(tm) =	ssettm $0x7FFFFFFF  }
tec
execute0_lowered:
.L_overlay_start_1:
0x0: {  	(tag) =	ssettag $0x1  }
0x1: {  	s5 =	rddreg [dreg:$0x0]  }
0x2: {  	s6 =	rddreg [dreg:$0x1]  }
0x3: {  	s2 =	rddreg [dreg:$0x2]  }
0x4: {  	s0 =	rddreg [dreg:$0x3];
	s3 =	simm.s32 $0x0;
	s4 =	srdreg.scid  }
0x5: {  	s1 =	stileid.u32;
	s12 =	simm.s32 $0x1;
	s13 =	simm.s32 $0x800  }
0x6: {  	s14 =	simm.s32 $0x4;
	s15 =	simm.s32 $0x900;
	s16 =	simm.s32 $0x2  }
0x7: {  	s17 =	simm.s32 $0x3;
	s18 =	simm.s32 $0x4E80;
	s19 =	simm.s32 $0x0  }
0x8: {  	[smem:$0x7FF] =	sst s3;
	s4 =	sand.u32 $0x1, s4;
	s7 =	sshll.u32 s1, $0x1  }
0x9: {  	s10 =	sshll.u32 s1, $0x8;
	s11 =	sshll.u32 s1, $0x7;
	s7 =	sor.u32 s4, s7  }
0xa: {  	s4 =	ssub.s32 $0x2, s4;
	s8 =	sshll.u32 s7, $0x5;
	s7 =	smul.u32 $0x78, s7  }
0xb: {  	_ =	strace $0x80000047;
	s9 =	sshrl.u32 s4, $0x1;
	s8 =	sadd.s32 s8, s5  }
0xc: {  	s9 =	ssub.s32 s4, s9;
	s4 =	sadd.s32 s5, s10;
	s7 =	sadd.s32 $0x100, s7  }
0xd: {  	s10 =	simm.s32 $0x1100;
	s8 =	sadd.s32 $0x10000, s8;
	s31 =	sshll.u32 s7, $0x4  }
0xe: {  	v1 =	vimm.f32 $1.000000000e+00;
	vm0 =	vcmask $0x1F00;
	s9 =	smax.u32 s9, $0x1;
	s7 =	sshrl.u32 s7, $0x3;
	s5 =	sadd.s32 s5, s31  }
0xf: {  	v0 =	vimm.f32 $0.0e+00;
	v1 =	vsel vm0, $0x0, v1;
	vm0 =	vmmov $0x1;
	s6 =	sadd.s32 s6, s7;
	s7 =	sadd.s32 s11, s2;
	s11 =	simm.s32 $0x4D00  }
.LBB2_1:
0x10: {  	[tilespmem:s3], [sflag:$0x1] =	stream.linear.gather [hbm4b:s4+s3], $0x800, $0x38;
	[tilespmem:$0x4F80] =	vst v63  }
0x11: {  	_ = 	snop  }
0x12: {  	[tilespmem:s10], [sflag:$0x2] =	stream.linear.gather [hbm4b:s5+s3], $0x3C00, $0x38;
	[tilespmem:$0x4F80] =	vst v63  }
0x13: {  	_ = 	snop  }
0x14: {  	[tilespmem:s11], [sflag:$0x3] =	stream.linear.gather [hbm4b:s6+s3], $0x78, $0x38;
	[tilespmem:$0x4F80] =	vst v63  }
0x15: {  	_ =	swait.ge [sflag:s12], $0x800  }
0x16: {  	[sflag:s12] =	ssyncset.done $0x0  }
0x17: {  	[sflag:s12] =	ssyncadd.s32 $0xFFFFF800  }
0x18: {  	v2 =	vld [tilespmem:$0x0]  }
0x19: {  	v3 =	vld [tilespmem:$0x80]  }
0x1a: {  	v4 =	vld [tilespmem:$0x100]  }
0x1b: {  	v5 =	vld [tilespmem:$0x180]  }
0x1c: {  	v6 =	vld [tilespmem:$0x200]  }
0x1d: {  	v7 =	vld [tilespmem:$0x280]  }
0x1e: {  	v8 =	vld [tilespmem:$0x300]  }
0x1f: {  	v9 =	vld [tilespmem:$0x380]  }
0x20: {  	v10 =	vld [tilespmem:$0x400]  }
0x21: {  	v11 =	vld [tilespmem:$0x480]  }
0x22: {  	v12 =	vld [tilespmem:$0x500]  }
0x23: {  	v13 =	vld [tilespmem:$0x580]  }
0x24: {  	v14 =	vld [tilespmem:$0x600]  }
0x25: {  	v15 =	vld [tilespmem:$0x680]  }
0x26: {  	v16 =	vld [tilespmem:$0x700]  }
0x27: {  	v17 =	vld [tilespmem:$0x780]  }
0x28: {  	v18 =	vld [tilespmem:$0x10]  }
0x29: {  	v19 =	vld [tilespmem:$0x90]  }
0x2a: {  	v20 =	vld [tilespmem:$0x110]  }
0x2b: {  	v21 =	vld [tilespmem:$0x190]  }
0x2c: {  	v22 =	vld [tilespmem:$0x210]  }
0x2d: {  	v23 =	vld [tilespmem:$0x290]  }
0x2e: {  	v24 =	vld [tilespmem:$0x310]  }
0x2f: {  	v25 =	vld [tilespmem:$0x390]  }
0x30: {  	v26 =	vld [tilespmem:$0x410]  }
0x31: {  	v27 =	vld [tilespmem:$0x490]  }
0x32: {  	v28 =	vld [tilespmem:$0x510]  }
0x33: {  	v29 =	vld [tilespmem:$0x590]  }
0x34: {  	v30 =	vld [tilespmem:$0x610]  }
0x35: {  	v31 =	vld [tilespmem:$0x690]  }
0x36: {  	v32 =	vld [tilespmem:$0x710]  }
0x37: {  	v33 =	vld [tilespmem:$0x790]  }
0x38: {  	v34 =	vld [tilespmem:$0x20]  }
0x39: {  	v35 =	vld [tilespmem:$0xA0]  }
0x3a: {  	v36 =	vld [tilespmem:$0x30]  }
0x3b: {  	v37 =	vld [tilespmem:$0xB0]  }
0x3c: {  	v38 =	vld [tilespmem:$0x120]  }
0x3d: {  	v2 =	vadd.f32 v3, v2;
	v3 =	vld [tilespmem:$0x130]  }
0x3e: {  	v18 =	vadd.f32 v19, v18;
	v19 =	vld [tilespmem:$0x1A0]  }
0x3f: {  	v55 =	vld [tilespmem:$0x1B0];
	v2 =	vadd.f32 v4, v2;
	v4 =	vadd.f32 v35, v34  }
0x40: {  	v56 =	vadd.f32 v37, v36;
	v18 =	vadd.f32 v20, v18;
	v20 =	vld [tilespmem:$0x220]  }
0x41: {  	v2 =	vadd.f32 v5, v2;
	v4 =	vadd.f32 v38, v4;
	v5 =	vld [tilespmem:$0x230]  }
0x42: {  	v18 =	vadd.f32 v21, v18;
	v21 =	vld [tilespmem:$0x2A0];
	v3 =	vadd.f32 v3, v56  }
0x43: {  	v2 =	vadd.f32 v6, v2;
	v4 =	vadd.f32 v19, v4;
	v6 =	vld [tilespmem:$0x2B0]  }
0x44: {  	v18 =	vadd.f32 v22, v18;
	v19 =	vld [tilespmem:$0x320];
	v3 =	vadd.f32 v55, v3  }
0x45: {  	v2 =	vadd.f32 v7, v2;
	v4 =	vadd.f32 v20, v4;
	v7 =	vld [tilespmem:$0x330]  }
0x46: {  	v18 =	vadd.f32 v23, v18;
	v20 =	vld [tilespmem:$0x3A0];
	v3 =	vadd.f32 v5, v3  }
0x47: {  	v5 =	vld [tilespmem:$0x3B0];
	v2 =	vadd.f32 v8, v2;
	v4 =	vadd.f32 v21, v4  }
0x48: {  	v8 =	vadd.f32 v24, v18;
	v18 =	vld [tilespmem:$0x420];
	v3 =	vadd.f32 v6, v3  }
0x49: {  	v6 =	vld [tilespmem:$0x430];
	v2 =	vadd.f32 v9, v2;
	v4 =	vadd.f32 v19, v4  }
0x4a: {  	v8 =	vadd.f32 v25, v8;
	v9 =	vld [tilespmem:$0x4A0];
	v3 =	vadd.f32 v7, v3  }
0x4b: {  	v7 =	vld [tilespmem:$0x4B0];
	v2 =	vadd.f32 v10, v2;
	v4 =	vadd.f32 v20, v4  }
0x4c: {  	v8 =	vadd.f32 v26, v8;
	v10 =	vld [tilespmem:$0x520];
	v3 =	vadd.f32 v5, v3  }
0x4d: {  	v5 =	vld [tilespmem:$0x530];
	v2 =	vadd.f32 v11, v2;
	v4 =	vadd.f32 v18, v4  }
0x4e: {  	v8 =	vadd.f32 v27, v8;
	v11 =	vld [tilespmem:$0x5A0];
	v3 =	vadd.f32 v6, v3  }
0x4f: {  	v6 =	vld [tilespmem:$0x5B0];
	v2 =	vadd.f32 v12, v2;
	v4 =	vadd.f32 v9, v4  }
0x50: {  	v8 =	vadd.f32 v28, v8;
	v9 =	vld [tilespmem:$0x620];
	v3 =	vadd.f32 v7, v3  }
0x51: {  	v7 =	vld [tilespmem:$0x630];
	v2 =	vadd.f32 v13, v2;
	v4 =	vadd.f32 v10, v4  }
0x52: {  	v8 =	vadd.f32 v29, v8;
	v10 =	vld [tilespmem:$0x6A0];
	v3 =	vadd.f32 v5, v3  }
0x53: {  	v5 =	vld [tilespmem:$0x6B0];
	v2 =	vadd.f32 v14, v2;
	v4 =	vadd.f32 v11, v4  }
0x54: {  	v8 =	vadd.f32 v30, v8;
	v11 =	vld [tilespmem:$0x720];
	v3 =	vadd.f32 v6, v3  }
0x55: {  	v6 =	vld [tilespmem:$0x730];
	v2 =	vadd.f32 v15, v2;
	v4 =	vadd.f32 v9, v4  }
0x56: {  	v8 =	vadd.f32 v31, v8;
	v9 =	vld [tilespmem:$0x7A0];
	v3 =	vadd.f32 v7, v3  }
0x57: {  	[tilespmem:$0x840] =	vst v0;
	v7 =	vld [tilespmem:$0x7B0];
	v2 =	vadd.f32 v16, v2;
	v4 =	vadd.f32 v10, v4  }
0x58: {  	[tilespmem:$0x850] =	vst v0;
	v8 =	vadd.f32 v32, v8;
	v3 =	vadd.f32 v5, v3  }
0x59: {  	[tilespmem:$0x860] =	vst v0;
	v2 =	vadd.f32 v17, v2;
	v4 =	vadd.f32 v11, v4  }
0x5a: {  	[tilespmem:$0x870] =	vst v0;
	v5 =	vadd.f32 v33, v8;
	v3 =	vadd.f32 v6, v3  }
0x5b: {  	[tilespmem:$0x800] =	vst v2;
	v2 =	vadd.f32 v9, v4  }
0x5c: {  	[tilespmem:$0x810] =	vst v5;
	v3 =	vadd.f32 v7, v3  }
0x5d: {  	[tilespmem:$0x820] =	vst v2  }
0x5e: {  	[tilespmem:$0x830] =	vst v3  }
0x5f: {  	[spmem:s7] =	stream.linear.scatter [tilespmem:s13], [sflag:$0x4], $0x80, $0x38;
	[tilespmem:$0x4F80] =	vst v63  }
0x60: {  	_ =	swait.ge [sflag:s14], $0x80  }
0x61: {  	[sflag:s14] =	ssyncset.done $0x0  }
0x62: {  	[sflag:s14] =	ssyncadd.s32 $0xFFFFFF80  }
0x63: {  	[bflag:$0x0] =	sbarrier.arrive $0xFFFF  }
0x64: {  	[tilespmem:s15], [sflag:$0x4] =	stream.linear.gather [spmem:s2], $0x800, $0x38;
	[tilespmem:$0x4F80] =	vst v63  }
0x65: {  	_ =	swait.ge [sflag:s14], $0x800  }
0x66: {  	[sflag:s14] =	ssyncset.done $0x0  }
0x67: {  	[sflag:s14] =	ssyncadd.s32 $0xFFFFF800  }
0x68: {  	v2 =	vld [tilespmem:$0x900]  }
0x69: {  	v3 =	vld [tilespmem:$0x980]  }
0x6a: {  	v4 =	vld [tilespmem:$0xA00]  }
0x6b: {  	v5 =	vld [tilespmem:$0xA80]  }
0x6c: {  	v6 =	vld [tilespmem:$0xB00]  }
0x6d: {  	v7 =	vld [tilespmem:$0xB80]  }
0x6e: {  	v8 =	vld [tilespmem:$0xC00]  }
0x6f: {  	v9 =	vld [tilespmem:$0xC80]  }
0x70: {  	v10 =	vld [tilespmem:$0xD00]  }
0x71: {  	v11 =	vld [tilespmem:$0xD80]  }
0x72: {  	v12 =	vld [tilespmem:$0xE00]  }
0x73: {  	v13 =	vld [tilespmem:$0xE80]  }
0x74: {  	v14 =	vld [tilespmem:$0xF00]  }
0x75: {  	v15 =	vld [tilespmem:$0xF80]  }
0x76: {  	v16 =	vld [tilespmem:$0x1000]  }
0x77: {  	v17 =	vld [tilespmem:$0x1080]  }
0x78: {  	v18 =	vld [tilespmem:$0x910]  }
0x79: {  	v19 =	vld [tilespmem:$0x990]  }
0x7a: {  	v20 =	vld [tilespmem:$0xA10]  }
0x7b: {  	v21 =	vld [tilespmem:$0xA90]  }
0x7c: {  	v22 =	vld [tilespmem:$0xB10]  }
0x7d: {  	v23 =	vld [tilespmem:$0xB90]  }
0x7e: {  	v24 =	vld [tilespmem:$0xC10]  }
0x7f: {  	v25 =	vld [tilespmem:$0xC90]  }
0x80: {  	v26 =	vld [tilespmem:$0xD10]  }
0x81: {  	v27 =	vld [tilespmem:$0xD90]  }
0x82: {  	v28 =	vld [tilespmem:$0xE10]  }
0x83: {  	v29 =	vld [tilespmem:$0xE90]  }
0x84: {  	v30 =	vld [tilespmem:$0xF10]  }
0x85: {  	v31 =	vld [tilespmem:$0xF90]  }
0x86: {  	v32 =	vld [tilespmem:$0x1010]  }
0x87: {  	v57 =	vld [tilespmem:$0x1090]  }
0x88: {  	v58 =	vld [tilespmem:$0x920]  }
0x89: {  	v59 =	vld [tilespmem:$0x9A0]  }
0x8a: {  	v60 =	vld [tilespmem:$0xA20]  }
0x8b: {  	v61 =	vld [tilespmem:$0xAA0]  }
0x8c: {  	v62 =	vld [tilespmem:$0xB20]  }
0x8d: {  	v39 =	vld [tilespmem:$0xBA0]  }
0x8e: {  	v40 =	vld [tilespmem:$0xC20]  }
0x8f: {  	v41 =	vld [tilespmem:$0xCA0]  }
0x90: {  	v42 =	vld [tilespmem:$0xD20]  }
0x91: {  	v43 =	vld [tilespmem:$0xDA0]  }
0x92: {  	v44 =	vld [tilespmem:$0xE20]  }
0x93: {  	v45 =	vld [tilespmem:$0xEA0]  }
0x94: {  	v46 =	vld [tilespmem:$0xF20]  }
0x95: {  	v47 =	vld [tilespmem:$0xFA0]  }
0x96: {  	v48 =	vld [tilespmem:$0x1020]  }
0x97: {  	v50 =	vld [tilespmem:$0x930]  }
0x98: {  	v51 =	vld [tilespmem:$0x9B0]  }
0x99: {  	v49 =	vld [tilespmem:$0x10A0]  }
0x9a: {  	v52 =	vld [tilespmem:$0xA30];
	v18 =	vadd.f32 v19, v18;
	v19 =	vadd.f32 v59, v58  }
0x9b: {  	v53 =	vld [tilespmem:$0xAB0];
	v2 =	vadd.f32 v3, v2  }
0x9c: {  	v54 =	vld [tilespmem:$0xB30];
	v18 =	vadd.f32 v20, v18;
	v19 =	vadd.f32 v60, v19  }
0x9d: {  	v63 =	vld [tilespmem:$0xBB0];
	v2 =	vadd.f32 v4, v2;
	v4 =	vadd.f32 v51, v50  }
0x9e: {  	v3 =	vld [tilespmem:$0xC30];
	v18 =	vadd.f32 v21, v18;
	v19 =	vadd.f32 v61, v19  }
0x9f: {  	v20 =	vld [tilespmem:$0xCB0];
	v2 =	vadd.f32 v5, v2;
	v4 =	vadd.f32 v52, v4  }
0xa0: {  	v50 =	vld [tilespmem:$0xD30];
	v18 =	vadd.f32 v22, v18;
	v19 =	vadd.f32 v62, v19  }
0xa1: {  	v21 =	vld [tilespmem:$0xDB0];
	v2 =	vadd.f32 v6, v2;
	v4 =	vadd.f32 v53, v4  }
0xa2: {  	v5 =	vld [tilespmem:$0xE30];
	v18 =	vadd.f32 v23, v18;
	v19 =	vadd.f32 v39, v19  }
0xa3: {  	v22 =	vld [tilespmem:$0xEB0];
	v2 =	vadd.f32 v7, v2;
	v4 =	vadd.f32 v54, v4  }
0xa4: {  	v6 =	vld [tilespmem:$0xF30];
	v18 =	vadd.f32 v24, v18;
	v19 =	vadd.f32 v40, v19  }
0xa5: {  	v23 =	vld [tilespmem:$0xFB0];
	v2 =	vadd.f32 v8, v2;
	v4 =	vadd.f32 v63, v4  }
0xa6: {  	v7 =	vld [tilespmem:$0x1030];
	v8 =	vadd.f32 v25, v18;
	v18 =	vadd.f32 v41, v19  }
0xa7: {  	v24 =	vld [tilespmem:$0x10B0];
	_ =	swait.ge [sflag:s16], $0x3C00;
	v2 =	vadd.f32 v9, v2;
	v3 =	vadd.f32 v3, v4  }
0xa8: {  	[sflag:s16] =	ssyncset.done $0x0;
	v4 =	vadd.f32 v26, v8;
	v8 =	vadd.f32 v42, v18  }
0xa9: {  	s21 =	simm.s32 $0x0;
	[sflag:s16] =	ssyncadd.s32 $0xFFFFC400;
	v2 =	vadd.f32 v10, v2  }
0xaa: {  	v9 =	vld [tilespmem:s21+$0x1310];
	v3 =	vadd.f32 v20, v3;
	v8 =	vadd.f32 v43, v8  }
0xab: {  	v19 =	vld [tilespmem:s21+$0x1220];
	v4 =	vadd.f32 v27, v4;
	v2 =	vadd.f32 v11, v2  }
0xac: {  	v52 =	vld [tilespmem:s21+$0x13B0];
	v3 =	vadd.f32 v50, v3;
	v8 =	vadd.f32 v44, v8  }
0xad: {  	v53 =	vld [tilespmem:s21+$0x1400];
	v4 =	vadd.f32 v28, v4;
	v2 =	vadd.f32 v12, v2  }
0xae: {  	v54 =	vld [tilespmem:s21+$0x1330];
	v3 =	vadd.f32 v21, v3;
	v8 =	vadd.f32 v45, v8  }
0xaf: {  	v61 =	vld [tilespmem:s21+$0x14B0];
	v4 =	vadd.f32 v29, v4;
	v2 =	vadd.f32 v13, v2  }
0xb0: {  	v62 =	vld [tilespmem:s21+$0x1500];
	v3 =	vadd.f32 v5, v3;
	v5 =	vadd.f32 v46, v8  }
0xb1: {  	v10 =	vld [tilespmem:s21+$0x1300];
	v4 =	vadd.f32 v30, v4;
	v2 =	vadd.f32 v14, v2  }
0xb2: {  	v20 =	vld [tilespmem:s21+$0x1210];
	v3 =	vadd.f32 v22, v3;
	v5 =	vadd.f32 v47, v5  }
0xb3: {  	v26 =	vld [tilespmem:s21+$0x12A0];
	v4 =	vadd.f32 v31, v4;
	v2 =	vadd.f32 v15, v2  }
0xb4: {  	v11 =	vld [tilespmem:s21+$0x16A0];
	v3 =	vadd.f32 v6, v3;
	v5 =	vadd.f32 v48, v5  }
0xb5: {  	v28 =	vld [tilespmem:s21+$0x1380];
	v4 =	vadd.f32 v32, v4;
	v2 =	vadd.f32 v16, v2  }
0xb6: {  	v8 =	vld [tilespmem:s21+$0x1120];
	v3 =	vadd.f32 v23, v3;
	v6 =	vadd.f32 v49, v5  }
0xb7: {  	v14 =	vld [tilespmem:s21+$0x1200];
	v4 =	vadd.f32 v57, v4  }
0xb8: {  	v13 =	vld [tilespmem:s21+$0x1100];
	v2 =	vadd.f32 v17, v2;
	v7 =	vadd.f32 v7, v3;
	v3 =	vmul.f32 $3.906250000e-03, v6  }
0xb9: {  	v15 =	vld [tilespmem:s21+$0x1280];
	v5 =	vmul.f32 $3.906250000e-03, v4  }
0xba: {  	v23 =	vld [tilespmem:s21+$0x1110];
	v2 =	vmul.f32 $3.906250000e-03, v2;
	v4 =	vadd.f32 v24, v7;
	v7 =	vsub.f32 v19, v3  }
0xbb: {  	v16 =	vld [tilespmem:s21+$0x1290];
	v19 =	vsub.f32 v20, v5;
	v25 =	vsub.f32 v8, v3  }
0xbc: {  	v63 =	vld [tilespmem:s21+$0x1510];
	v8 =	vsub.f32 v14, v2;
	v11 =	vsub.f32 v11, v3  }
0xbd: {  	v17 =	vld [tilespmem:s21+$0x1180];
	v13 =	vsub.f32 v13, v2;
	v30 =	vsub.f32 v10, v2  }
0xbe: {  	v12 =	vld [tilespmem:s21+$0x11B0];
	v31 =	vsub.f32 v9, v5;
	v26 =	vsub.f32 v26, v3  }
0xbf: {  	v18 =	vld [tilespmem:s21+$0x1130];
	v23 =	vsub.f32 v23, v5;
	v28 =	vsub.f32 v28, v2  }
0xc0: {  	v21 =	vld [tilespmem:s21+$0x1690];
	v15 =	vsub.f32 v15, v2;
	v16 =	vsub.f32 v16, v5  }
0xc1: {  	v6 =	vld [tilespmem:s21+$0x1190];
	v4 =	vmul.f32 $3.906250000e-03, v4;
	v41 =	vsub.f32 v62, v2;
	v40 =	vsub.f32 v63, v5  }
0xc2: {  	v20 =	vld [tilespmem:s21+$0x16B0];
	v10 =	vsub.f32 v17, v2;
	v8 =	vmul.f32 v8, v8;
	v19 =	vmul.f32 v19, v19  }
0xc3: {  	v14 =	vld [tilespmem:s21+$0x1230];
	v12 =	vsub.f32 v12, v4;
	v29 =	vmul.f32 v13, v13;
	v13 =	vmul.f32 v7, v7  }
0xc4: {  	v17 =	vld [tilespmem:s21+$0x1390];
	v18 =	vsub.f32 v18, v4;
	v7 =	vmul.f32 v11, v11;
	v26 =	vmul.f32 v26, v26  }
0xc5: {  	v27 =	vld [tilespmem:s21+$0x1320];
	v28 =	vmul.f32 v28, v28;
	v32 =	vsub.f32 v52, v4;
	v15 =	vmul.f32 v15, v15  }
0xc6: {  	v24 =	vld [tilespmem:s21+$0x11A0];
	v37 =	vsub.f32 v61, v4;
	v51 =	vmul.f32 v12, v12;
	v12 =	vadd.f32 v19, v8  }
0xc7: {  	v9 =	vmul.f32 v18, v18;
	v8 =	vsub.f32 v21, v5;
	v19 =	vld [tilespmem:s21+$0x13A0];
	v11 =	vsub.f32 v20, v4  }
0xc8: {  	v18 =	vld [tilespmem:s21+$0x12B0];
	v21 =	vsub.f32 v6, v5;
	v20 =	vmul.f32 v10, v10;
	v14 =	vsub.f32 v14, v4  }
0xc9: {  	v55 =	vld [tilespmem:s21+$0x14A0];
	v17 =	vsub.f32 v17, v5;
	v6 =	vmul.f32 v11, v11;
	v11 =	vadd.f32 v13, v12  }
0xca: {  	v12 =	vmul.f32 v25, v25;
	v25 =	vsub.f32 v27, v3;
	v27 =	vmul.f32 v31, v31;
	v31 =	vld [tilespmem:s21+$0x1410]  }
0xcb: {  	v24 =	vsub.f32 v24, v3;
	v21 =	vmul.f32 v21, v21;
	v13 =	vmul.f32 v30, v30;
	v30 =	vld [tilespmem:s21+$0x1490]  }
0xcc: {  	v22 =	vld [tilespmem:s21+$0x1680];
	v14 =	vmul.f32 v14, v14;
	v17 =	vmul.f32 v17, v17;
	v19 =	vsub.f32 v19, v3  }
0xcd: {  	v58 =	vld [tilespmem:s21+$0x1420];
	v18 =	vsub.f32 v18, v4;
	v57 =	vadd.f32 v27, v13;
	v13 =	vmul.f32 v16, v16  }
0xce: {  	v56 =	vld [tilespmem:s21+$0x1580];
	v11 =	vadd.f32 v14, v11;
	v16 =	vadd.f32 v17, v28;
	v17 =	vmul.f32 v19, v19  }
0xcf: {  	v59 =	vld [tilespmem:s21+$0x1430];
	v19 =	vmul.f32 v25, v25;
	v15 =	vadd.f32 v13, v15;
	v25 =	vsub.f32 v31, v5  }
0xd0: {  	v60 =	vld [tilespmem:s21+$0x1590];
	v24 =	vmul.f32 v24, v24;
	v30 =	vsub.f32 v30, v5;
	v13 =	vadd.f32 v17, v16  }
0xd1: {  	v34 =	vld [tilespmem:s21+$0x1610];
	v16 =	vmul.f32 v32, v32;
	v17 =	vsub.f32 v22, v2;
	v22 =	vadd.f32 v21, v20  }
0xd2: {  	v35 =	vld [tilespmem:s21+$0x1620];
	v18 =	vmul.f32 v18, v18;
	v27 =	vadd.f32 v26, v15;
	v26 =	vsub.f32 v58, v3  }
0xd3: {  	v36 =	vld [tilespmem:s21+$0x1630];
	v15 =	vadd.f32 v19, v57;
	v13 =	vadd.f32 v16, v13;
	v16 =	vmul.f32 v23, v23  }
0xd4: {  	v10 =	vld [tilespmem:s21+$0x1480];
	v28 =	vmul.f32 v25, v25;
	v14 =	vmul.f32 v30, v30;
	v30 =	vsub.f32 v53, v2  }
0xd5: {  	v21 =	vld [tilespmem:s21+$0x1520];
	v32 =	vmul.f32 v26, v26;
	v31 =	vadd.f32 v16, v29;
	v16 =	vsub.f32 v60, v5  }
0xd6: {  	v20 =	vld [tilespmem:s21+$0x15B0];
	v26 =	vsub.f32 v59, v4;
	v39 =	vmul.f32 v30, v30;
	v29 =	vadd.f32 v24, v22  }
0xd7: {  	v19 =	vld [tilespmem:s21+$0x1600];
	v24 =	vsub.f32 v54, v4;
	v22 =	vmul.f32 v16, v16;
	v16 =	vsub.f32 v56, v2  }
0xd8: {  	v23 =	vld [tilespmem:s21+$0x15A0];
	v33 =	vmul.f32 v26, v26;
	v26 =	vimm.f32 $0.0e+00;
	v38 =	vadd.f32 v51, v29  }
0xd9: {  	s20 =	simm.s32 $0x1800;
	v25 =	vld [tilespmem:s21+$0x1530];
	v29 =	vsub.f32 v55, v3;
	v30 =	vmul.f32 v16, v16;
	v16 =	vimm.f32 $0.0e+00  }
.LBB2_2:
0xda: {  	s21 =	sshra.s32 s20, $0x2;
	p0 =	sne.s32 s20, $0xD800;
	s20 =	sadd.s32 $0x1800, s20;
	v26 =	vadd.f32 v38, v26;
	v28 =	vadd.f32 v28, v39;
	v37 =	vmul.f32 v37, v37  }
0xdb: {  	v12 =	vadd.f32 v12, v31;
	v18 =	vadd.f32 v18, v27;
	v38 =	vld [tilespmem:s21+$0x1310];
	v27 =	vmul.f32 v41, v41  }
0xdc: {  	v31 =	vld [tilespmem:s21+$0x1300];
	v28 =	vadd.f32 v32, v28;
	v32 =	vmul.f32 v40, v40;
	v34 =	vsub.f32 v34, v5  }
0xdd: {  	v29 =	vmul.f32 v29, v29;
	v23 =	vsub.f32 v23, v3;
	v39 =	vld [tilespmem:s21+$0x1130];
	v35 =	vsub.f32 v35, v3  }
0xde: {  	v17 =	vmul.f32 v17, v17;
	v40 =	vld [tilespmem:s21+$0x16A0];
	v27 =	vadd.f32 v32, v27;
	v32 =	vsub.f32 v36, v4  }
0xdf: {  	v18 =	vadd.f32 v18, v26;
	v23 =	vmul.f32 v23, v23;
	v26 =	vadd.f32 v33, v28;
	v36 =	vld [tilespmem:s21+$0x1220]  }
0xe0: {  	v24 =	vmul.f32 v24, v24;
	v21 =	vsub.f32 v21, v3;
	v25 =	vsub.f32 v25, v4;
	v28 =	vld [tilespmem:s21+$0x11B0]  }
0xe1: {  	v10 =	vsub.f32 v10, v2;
	v9 =	vadd.f32 v9, v12;
	v33 =	vld [tilespmem:s21+$0x1210]  }
0xe2: {  	v20 =	vsub.f32 v20, v4;
	v22 =	vadd.f32 v22, v30;
	v25 =	vmul.f32 v25, v25;
	v12 =	vld [tilespmem:s21+$0x1100]  }
0xe3: {  	v8 =	vmul.f32 v8, v8;
	v9 =	vadd.f32 v9, v16;
	v16 =	vadd.f32 v13, v18;
	v30 =	vld [tilespmem:s21+$0x1120]  }
0xe4: {  	v15 =	vadd.f32 v24, v15;
	v10 =	vmul.f32 v10, v10;
	v18 =	vld [tilespmem:s21+$0x1200];
	v36 =	vsub.f32 v36, v3  }
0xe5: {  	v19 =	vsub.f32 v19, v2;
	v8 =	vadd.f32 v8, v17;
	v24 =	vld [tilespmem:s21+$0x1690]  }
0xe6: {  	v10 =	vadd.f32 v14, v10;
	v14 =	vmul.f32 v21, v21;
	v17 =	vsub.f32 v33, v5;
	v33 =	vld [tilespmem:s21+$0x1280]  }
0xe7: {  	v21 =	vadd.f32 v23, v22;
	v7 =	vadd.f32 v7, v8;
	v22 =	vmul.f32 v32, v32;
	v13 =	vld [tilespmem:s21+$0x1680]  }
0xe8: {  	v8 =	vadd.f32 v14, v27;
	v14 =	vmul.f32 v19, v19;
	v23 =	vsub.f32 v30, v3;
	v30 =	vld [tilespmem:s21+$0x1290]  }
0xe9: {  	v10 =	vadd.f32 v29, v10;
	v27 =	vmul.f32 v34, v34;
	v19 =	vld [tilespmem:s21+$0x1110];
	v18 =	vsub.f32 v18, v2  }
0xea: {  	v25 =	vadd.f32 v25, v8;
	v8 =	vmul.f32 v20, v20;
	v32 =	vsub.f32 v40, v3;
	v29 =	vld [tilespmem:s21+$0x1180]  }
0xeb: {  	v34 =	vadd.f32 v6, v7;
	v12 =	vsub.f32 v12, v2;
	v20 =	vld [tilespmem:s21+$0x1190];
	v18 =	vmul.f32 v18, v18  }
0xec: {  	v6 =	vsub.f32 v39, v4;
	v14 =	vadd.f32 v27, v14;
	v7 =	vmul.f32 v17, v17;
	v39 =	vld [tilespmem:s21+$0x11A0]  }
0xed: {  	v10 =	vadd.f32 v37, v10;
	v40 =	vmul.f32 v12, v12;
	v12 =	vsub.f32 v28, v4;
	v17 =	vld [tilespmem:s21+$0x16B0]  }
0xee: {  	v9 =	vadd.f32 v11, v9;
	v31 =	vsub.f32 v31, v2;
	v27 =	vmul.f32 v36, v36;
	v28 =	vld [tilespmem:s21+$0x1230]  }
0xef: {  	v16 =	vadd.f32 v10, v16;
	v11 =	vsub.f32 v29, v2;
	v29 =	vmul.f32 v12, v12;
	v12 =	vld [tilespmem:s21+$0x12A0]  }
0xf0: {  	v10 =	vadd.f32 v15, v9;
	v15 =	vmul.f32 v35, v35;
	v36 =	vsub.f32 v38, v5;
	v37 =	vld [tilespmem:s21+$0x1320]  }
0xf1: {  	v9 =	vmul.f32 v6, v6;
	v21 =	vadd.f32 v8, v21;
	v18 =	vadd.f32 v7, v18;
	v35 =	vld [tilespmem:s21+$0x1380]  }
0xf2: {  	v8 =	vsub.f32 v24, v5;
	v7 =	vmul.f32 v32, v32;
	v38 =	vld [tilespmem:s21+$0x1390];
	v6 =	vsub.f32 v17, v4  }
0xf3: {  	v14 =	vadd.f32 v15, v14;
	v11 =	vmul.f32 v11, v11;
	v17 =	vsub.f32 v20, v5;
	v20 =	vld [tilespmem:s21+$0x12B0]  }
0xf4: {  	v24 =	vadd.f32 v26, v10;
	v12 =	vsub.f32 v12, v3;
	v15 =	vld [tilespmem:s21+$0x13A0];
	v6 =	vmul.f32 v6, v6  }
0xf5: {  	v16 =	vadd.f32 v21, v16;
	v32 =	vadd.f32 v27, v18;
	v27 =	vmul.f32 v31, v31;
	v10 =	vld [tilespmem:s21+$0x1480]  }
0xf6: {  	v19 =	vsub.f32 v19, v5;
	v21 =	vmul.f32 v12, v12;
	v18 =	vsub.f32 v35, v2;
	v31 =	vld [tilespmem:s21+$0x1490]  }
0xf7: {  	v14 =	vadd.f32 v22, v14;
	v12 =	vmul.f32 v23, v23;
	v23 =	vsub.f32 v37, v3;
	v35 =	vld [tilespmem:s21+$0x13B0]  }
0xf8: {  	v22 =	vmul.f32 v36, v36;
	v24 =	vadd.f32 v25, v24;
	v20 =	vsub.f32 v20, v4;
	v36 =	vld [tilespmem:s21+$0x1400]  }
0xf9: {  	v25 =	vmul.f32 v17, v17;
	v17 =	vsub.f32 v33, v2;
	v33 =	vsub.f32 v38, v5;
	v37 =	vld [tilespmem:s21+$0x1410]  }
0xfa: {  	v26 =	vadd.f32 v34, v16;
	v30 =	vsub.f32 v30, v5;
	v38 =	vmul.f32 v23, v23;
	v41 =	vld [tilespmem:s21+$0x1330]  }
0xfb: {  	v23 =	vsub.f32 v28, v4;
	v28 =	vmul.f32 v33, v33;
	v15 =	vsub.f32 v15, v3;
	v42 =	vld [tilespmem:s21+$0x14A0]  }
0xfc: {  	v16 =	vadd.f32 v14, v24;
	v33 =	vmul.f32 v18, v18;
	v34 =	vsub.f32 v35, v4;
	v35 =	vld [tilespmem:s21+$0x1580]  }
0xfd: {  	v14 =	vmul.f32 v17, v17;
	v18 =	vmul.f32 v20, v20;
	v20 =	vadd.f32 v22, v27;
	v22 =	vld [tilespmem:s21+$0x1420]  }
0xfe: {  	v17 =	vmul.f32 v30, v30;
	v24 =	vadd.f32 v28, v33;
	v15 =	vmul.f32 v15, v15;
	v30 =	vld [tilespmem:s21+$0x1430]  }
0xff: {  	v19 =	vmul.f32 v19, v19;
	v27 =	vsub.f32 v39, v3;
	v28 =	vsub.f32 v37, v5;
	v33 =	vld [tilespmem:s21+$0x1590]  }
0x100: {  	v14 =	vadd.f32 v17, v14;
	v15 =	vadd.f32 v15, v24;
	v24 =	vmul.f32 v34, v34;
	v37 =	vld [tilespmem:s21+$0x14B0]  }
0x101: {  	v17 =	vsub.f32 v13, v2;
	v31 =	vsub.f32 v31, v5;
	v34 =	vmul.f32 v23, v23;
	v43 =	vld [tilespmem:s21+$0x1500]  }
0x102: {  	v25 =	vadd.f32 v25, v11;
	v13 =	vadd.f32 v24, v15;
	v28 =	vmul.f32 v28, v28;
	v44 =	vld [tilespmem:s21+$0x1510]  }
0x103: {  	v24 =	vmul.f32 v27, v27;
	v27 =	vadd.f32 v21, v14;
	v22 =	vsub.f32 v22, v3;
	v23 =	vld [tilespmem:s21+$0x15A0]  }
0x104: {  	v11 =	vadd.f32 v34, v32;
	v15 =	vadd.f32 v38, v20;
	v14 =	vmul.f32 v31, v31;
	v21 =	vld [tilespmem:s21+$0x1520]  }
0x105: {  	v31 =	vadd.f32 v19, v40;
	v19 =	vsub.f32 v33, v5;
	v20 =	vld [tilespmem:s21+$0x15B0]  }
.Ltmp0:
0x106: {  	v34 =	vsub.f32 v36, v2;
	v33 =	vadd.f32 v24, v25;
	v32 =	vmul.f32 v22, v22;
	v25 =	vld [tilespmem:s21+$0x1530];
	(pc) =	sbr.rel @p0 .LBB2_2-.Ltmp0, $4  }
0x107: {  	v30 =	vsub.f32 v30, v4;
	v24 =	vsub.f32 v41, v4;
	v22 =	vmul.f32 v19, v19;
	v19 =	vld [tilespmem:s21+$0x1600]  }
0x108: {  	v36 =	vsub.f32 v35, v2;
	v39 =	vmul.f32 v34, v34;
	v38 =	vadd.f32 v29, v33;
	v34 =	vld [tilespmem:s21+$0x1610]  }
0x109: {  	v37 =	vsub.f32 v37, v4;
	v33 =	vmul.f32 v30, v30;
	v29 =	vsub.f32 v42, v3;
	v35 =	vld [tilespmem:s21+$0x1620]  }
0x10a: {  	v41 =	vsub.f32 v43, v2;
	v30 =	vmul.f32 v36, v36;
	v40 =	vsub.f32 v44, v5;
	v36 =	vld [tilespmem:s21+$0x1630]  }
0x10b: {  	v26 =	vadd.f32 v38, v26;
	v28 =	vadd.f32 v28, v39  }
0x10c: {  	v12 =	vadd.f32 v12, v31;
	v18 =	vadd.f32 v18, v27  }
0x10d: {  	v23 =	vsub.f32 v23, v3;
	v17 =	vmul.f32 v17, v17;
	v63 =	vsub.f32 v25, v4  }
0x10e: {  	v10 =	vsub.f32 v10, v2;
	v8 =	vmul.f32 v8, v8;
	v22 =	vadd.f32 v22, v30  }
0x10f: {  	v58 =	vmul.f32 v41, v41;
	v2 =	vsub.f32 v19, v2;
	v28 =	vadd.f32 v32, v28  }
0x110: {  	v59 =	vmul.f32 v40, v40;
	v5 =	vsub.f32 v34, v5;
	v18 =	vadd.f32 v18, v26  }
0x111: {  	v30 =	vmul.f32 v24, v24;
	v9 =	vadd.f32 v9, v12;
	v8 =	vadd.f32 v8, v17  }
0x112: {  	v62 =	vmul.f32 v37, v37;
	v60 =	vsub.f32 v35, v3;
	v27 =	vadd.f32 v59, v58  }
0x113: {  	_ =	swait.ge [sflag:s17], $0x78;
	v25 =	vmul.f32 v23, v23;
	v3 =	vsub.f32 v21, v3;
	v15 =	vadd.f32 v30, v15  }
0x114: {  	[sflag:s17] =	ssyncset.done $0x0;
	v10 =	vmul.f32 v10, v10;
	v61 =	vsub.f32 v36, v4;
	v28 =	vadd.f32 v33, v28  }
0x115: {  	[sflag:s17] =	ssyncadd.s32 $0xFFFFFF88;
	v34 =	vmul.f32 v29, v29;
	v33 =	vsub.f32 v20, v4;
	v9 =	vadd.f32 v9, v16  }
0x116: {  	v35 =	vld [tilespmem:$0x4D00];
	v2 =	vmul.f32 v2, v2;
	v13 =	vadd.f32 v13, v18;
	v10 =	vadd.f32 v14, v10  }
0x117: {  	v37 =	vld [tilespmem:$0x4D10];
	v36 =	vmul.f32 v63, v63;
	v7 =	vadd.f32 v7, v8;
	v5 =	vmul.f32 v5, v5  }
0x118: {  	v12 =	vadd.f32 v25, v22;
	v3 =	vmul.f32 v3, v3;
	v45 =	vmul.f32 v60, v60  }
0x119: {  	v40 =	vld [tilespmem:$0x4D20];
	v38 =	vmul.f32 v61, v61;
	v39 =	vadd.f32 v34, v10;
	v6 =	vadd.f32 v6, v7  }
0x11a: {  	v4 =	vmul.f32 v33, v33;
	v2 =	vadd.f32 v5, v2;
	v42 =	vadd.f32 v11, v9  }
0x11b: {  	v43 =	vld [tilespmem:$0x4D30];
	v3 =	vadd.f32 v3, v27;
	v41 =	vadd.f32 v62, v39;
	vm1 =	veq.s32 v35, $0x0  }
0x11c: {  	v5 =	vadd.f32 v15, v42;
	v44 =	vsel vm1, $0x3F800000, v0;
	vm1 =	veq.s32 v37, $0x0  }
0x11d: {  	v47 =	vld [tilespmem:$0x4D40];
	v4 =	vadd.f32 v4, v12;
	v2 =	vadd.f32 v45, v2;
	v46 =	vsel vm1, $0x3F800000, v0  }
0x11e: {  	v3 =	vadd.f32 v36, v3;
	vm1 =	veq.s32 v40, $0x0;
	v9 =	vadd.f32 v46, v44  }
0x11f: {  	v48 =	vld [tilespmem:$0x4D50];
	v7 =	vadd.f32 v41, v13;
	v5 =	vadd.f32 v28, v5;
	v10 =	vsel vm1, $0x3F800000, v0  }
0x120: {  	v2 =	vadd.f32 v38, v2;
	vm1 =	veq.s32 v43, $0x0;
	v49 =	vadd.f32 v10, v9  }
0x121: {  	v51 =	vld [tilespmem:$0x4D60];
	v4 =	vadd.f32 v4, v7;
	v3 =	vadd.f32 v3, v5;
	v50 =	vsel vm1, $0x3F800000, v0  }
0x122: {  	vm1 =	veq.s32 v47, $0x0;
	v5 =	vadd.f32 v50, v49  }
0x123: {  	v52 =	vld [tilespmem:$0x4D68];
	v4 =	vadd.f32 v6, v4;
	v2 =	vadd.f32 v2, v3;
	v3 =	vsel vm1, $0x3F800000, v0  }
0x124: {  	vm1 =	veq.s32 v48, $0x0;
	v3 =	vadd.f32 v3, v5  }
0x125: {  	v53 =	vsel vm1, $0x3F800000, v0;
	v2 =	vadd.f32 v4, v2  }
0x126: {  	[tilespmem:$0x4DA0] =	vst v0;
	vm1 =	veq.s32 v51, $0x0;
	v3 =	vadd.f32 v53, v3  }
0x127: {  	v54 =	vsel vm1, $0x3F800000, v0;
	[tilespmem:$0x4D90] =	vst v2  }
0x128: {  	vm1 =	veq.s32 v52, $0x0;
	v55 =	vld [tilespmem:$0x4D98];
	v3 =	vadd.f32 v54, v3  }
0x129: {  	v56 =	vnsel vm1, $0x0, v1  }
0x12a: {  	v3 =	vadd.f32 v56, v3  }
0x12b: {  	[tilespmem:$0x4E20] =	vst v0  }
0x12c: {  	[tilespmem:$0x4E10] =	vst v3  }
0x12d: {  	v2 =	vadd.f32 v55, v2;
	v57 =	vld [tilespmem:$0x4E18];
	_ =	sdelay $0x1  }
0x12e: {  	[tilespmem:$0x4D90] =	vst v2  }
0x12f: {  	v58 =	vld [tilespmem:$0x4D94];
	_ =	sdelay $0x1  }
0x130: {  	v3 =	vadd.f32 v57, v3;
	_ =	sdelay $0x1  }
0x131: {  	[tilespmem:$0x4E10] =	vst v3  }
0x132: {  	v2 =	vadd.f32 v58, v2;
	v59 =	vld [tilespmem:$0x4E14];
	_ =	sdelay $0x1  }
0x133: {  	[tilespmem:$0x4D90] =	vst v2  }
0x134: {  	v60 =	vld [tilespmem:$0x4D92];
	_ =	sdelay $0x1  }
0x135: {  	v3 =	vadd.f32 v59, v3;
	_ =	sdelay $0x1  }
0x136: {  	[tilespmem:$0x4E10] =	vst v3  }
0x137: {  	v2 =	vadd.f32 v60, v2;
	v61 =	vld [tilespmem:$0x4E12];
	_ =	sdelay $0x1  }
0x138: {  	[tilespmem:$0x4D90] =	vst v2  }
0x139: {  	v62 =	vld [tilespmem:$0x4D91];
	_ =	sdelay $0x1  }
0x13a: {  	v3 =	vadd.f32 v61, v3;
	_ =	sdelay $0x1  }
0x13b: {  	[tilespmem:$0x4E10] =	vst v3  }
0x13c: {  	v2 =	vadd.f32 v62, v2;
	v63 =	vld [tilespmem:$0x4E11];
	_ =	sdelay $0x1  }
0x13d: {  	v2 =	vsub.f32 $0.0e+00, v2;
	_ =	sdelay $0x1  }
0x13e: {  	v2 =	vsub.f32 v2, v2  }
0x13f: {  	v3 =	vadd.f32 v63, v3  }
0x140: {  	v2 =	vmul.f32 $2.604166800e-04, v2  }
0x141: {  	[tilespmem:$0x4D80] =	vst v0;
	v3 =	vmul.f32 $2.604166800e-04, v3  }
0x142: {  	s19 =	sadd.s32 $0x1, s19;
	[tilespmem:$0x4E00] =	vst v0;
	v2 =	vnsel vm0, $0x0, v2  }
0x143: {  	p0 =	sne.s32 s19, s9;
	[tilespmem:$0x4E80] =	vst v2;
	v2 =	vnsel vm0, $0x0, v3  }
.Ltmp1:
0x144: {  	[tilespmem:$0x4F00] =	vst v2;
	(pc) =	sbr.rel @p0 .LBB2_1-.Ltmp1, $4  }
0x145: {  	[hbm4b:s8+s3] =	stream.linear.scatter [tilespmem:s18], [sflag:$0x4], $0x100, $0x38;
	[tilespmem:$0x4F80] =	vst v63  }
0x146: {  	_ =	swait.ge [sflag:s14], $0x100  }
0x147: {  	[sflag:s14] =	ssyncset.done $0x0  }
0x148: {  	[sflag:s14] =	ssyncadd.s32 $0xFFFFFF00  }
0x149: {  	_ =	sfence.sel $0x180000  }
0x14a: {  	[bflag:$0x0] =	sbarrier.arrive $0xFFFF  }
0x14b: {  	p0 =	sne.s32 s1, $0x0;
	_ =	strace $0x90000047  }
0x14c: {  	s0 =	sadd.s32 @!p0 $0x100000, s0;
	[bflag:$0x2] =	sbarrier.arrive $0xFFFF  }
0x14d: {  	[sflag:s0] =	ssyncadd.tile.s32 @!p0 $0x1;
	_ =	shalt  }
.Lfunc_end2:
_tile_overlayer_lowered:
.L_overlay_start_2:
0x14e: {  	(tag) =	ssettag $0x2  }
0x14f: {  	s0 =	rddreg [dreg:$0x0];
	s2 =	stileid.u32  }
0x150: {  	s1 =	rddreg [dreg:$0x1];
	p0 =	sne.s32 s2, $0x0  }
0x151: {  	s3 =	rddreg [dreg:$0x2];
	[bflag:$0x3] =	sbarrier.arrive $0xFFFF;
	s2 =	simm.s32 @!p0 $0x1C04  }
0x152: {  	[timem:s3], [sflag:s2] =	dma.local @!p0 [hbm:s0], s1  }
0x153: {  	s0 =	simm.s32 @!p0 $0x4  }
0x154: {  	_ =	swait.ge @!p0 [sflag:s0], s1  }
0x155: {  	s1 =	ssub.s32 @!p0 $0x0, s1;
	[sflag:s0] =	ssyncset.done @!p0 $0x0  }
0x156: {  	[sflag:s0] =	ssyncadd.s32 @!p0 s1  }
0x157: {  	[bflag:$0x3] =	sbarrier.arrive $0xFFFF  }
0x158: {  	_ =	shalt  }

</sc_bundles>
